<compile_context>
chip_gen: v7x
topology: tpu7x:2x2x1
jax: 0.10.2.dev20260603
libtpu: 0.0.44.dev20260713+nightly
codegen_flags: <defaults>
</compile_context>

<pallas_src>
import functools

import jax
import jax.numpy as jnp
from jax import lax
from jax.experimental import pallas as pl
from jax.experimental.pallas import tpu as pltpu
from jax.experimental.pallas import tpu_sc as plsc

DIM = 64
LANES = 16
IDX_CHUNK = 128


@functools.lru_cache(maxsize=None)
def _make_kernel(batch: int):
    info = plsc.get_sparse_core_info()
    nc, ns = info.num_cores, info.num_subcores
    nw = nc * ns
    bpw = batch // nw
    nch = bpw // IDX_CHUNK
    mesh = plsc.VectorSubcoreMesh(core_axis_name="c", subcore_axis_name="s")

    @functools.partial(
        pl.kernel,
        mesh=mesh,
        out_type=jax.ShapeDtypeStruct((batch,), jnp.float32),
        scratch_types=[
            pltpu.VMEM((nch, IDX_CHUNK), jnp.int32),
            pltpu.VMEM((nch, IDX_CHUNK), jnp.int32),
            pltpu.VMEM((bpw, DIM), jnp.float32),
            pltpu.VMEM((bpw, DIM), jnp.float32),
            pltpu.VMEM((bpw,), jnp.float32),
            pltpu.SemaphoreType.DMA,
        ],
        compiler_params=pltpu.CompilerParams(
            needs_layout_passes=False, use_tc_tiling_on_sc=False),
    )
    def skipgram(center_hbm, context_hbm, inemb_hbm, outemb_hbm, o_hbm,
                 cidx, xidx, arows, crows, ovec, sem):
        wid = lax.axis_index("s") * nc + lax.axis_index("c")
        base = wid * bpw

        for j in range(nch):
            pltpu.sync_copy(center_hbm.at[pl.ds(base + j * IDX_CHUNK, IDX_CHUNK)],
                            cidx.at[j])
            pltpu.sync_copy(context_hbm.at[pl.ds(base + j * IDX_CHUNK, IDX_CHUNK)],
                            xidx.at[j])

        copies = []
        for j in range(nch):
            copies.append(pltpu.async_copy(
                inemb_hbm.at[cidx.at[j]],
                arows.at[pl.ds(j * IDX_CHUNK, IDX_CHUNK)], sem))
            copies.append(pltpu.async_copy(
                outemb_hbm.at[xidx.at[j]],
                crows.at[pl.ds(j * IDX_CHUNK, IDX_CHUNK)], sem))
        for cp in copies:
            cp.wait()

        lane = lax.iota(jnp.int32, LANES)

        def group_body(g, carry):
            row0 = g * LANES
            acc = jnp.zeros((LANES,), jnp.float32)
            for r in range(LANES):
                row = row0 + r
                s = arows[row, pl.ds(0, LANES)] * crows[row, pl.ds(0, LANES)]
                for k in range(1, DIM // LANES):
                    s = s + (arows[row, pl.ds(k * LANES, LANES)]
                             * crows[row, pl.ds(k * LANES, LANES)])
                acc = jnp.where(lane == r, jnp.sum(s), acc)
            ovec[pl.ds(pl.multiple_of(row0, LANES), LANES)] = acc
            return carry

        lax.fori_loop(0, bpw // LANES, group_body, 0)
        pltpu.sync_copy(ovec, o_hbm.at[pl.ds(base, bpw)])

    return skipgram


def kernel(center_words, context_words, in_emb, out_emb):
    (batch,) = center_words.shape
    return _make_kernel(batch)(center_words, context_words, in_emb, out_emb)

# --- scband reference (transcript-rebuilt; emitter-appended) ---
"""Pipeline reference for scband-kural-model-4037269258912 (READ-ONLY COPY).

The authoritative reference and input builder live on the scoring server;
editing this copy changes nothing except your own understanding.
"""

import jax, jax.numpy as jnp
import numpy as np

VOCAB = 1000000
DIM = 64
BATCH = 16384


def setup_inputs(seed: int = 0) -> dict:
    key = jax.random.key(seed)
    k1, k2, k3, k4 = jax.random.split(key, 4)
    center_words = jax.random.randint(k1, (BATCH,), 0, VOCAB, dtype=jnp.int64 if jax.config.jax_enable_x64 else jnp.int32).astype(jnp.int32)
    context_words = jax.random.randint(k2, (BATCH,), 0, VOCAB, dtype=jnp.int64 if jax.config.jax_enable_x64 else jnp.int32).astype(jnp.int32)
    in_emb = jax.random.normal(k3, (VOCAB, DIM), dtype=jnp.float32)
    out_emb = jax.random.normal(k4, (VOCAB, DIM), dtype=jnp.float32)
    return {"center_words": center_words, "context_words": context_words, "in_emb": in_emb, "out_emb": out_emb}


def reference(center_words, context_words, in_emb, out_emb):
    # Skip-gram: gather center and context embeddings, dot product per pair
    center_embeds = jnp.take(in_emb, center_words, axis=0)   # [B, D]
    context_embeds = jnp.take(out_emb, context_words, axis=0)  # [B, D]
    scores = jnp.sum(center_embeds * context_embeds, axis=1)  # [B]
    return scores

if __name__ == "__main__":
    import jax
    _d = setup_inputs()
    print(jax.jit(kernel)(*tuple(_d.values())))

</pallas_src>

<mosaic_0001>
#map = affine_map<(d0, d1) -> (0)>
#map1 = affine_map<(d0, d1) -> (0, 0)>
module attributes {stable_mosaic.version = 14 : i64} {
  func.func @skipgram(%arg0: i32, %arg1: i32, %arg2: memref<16384xi32, #tpu.memory_space<hbm>>, %arg3: memref<16384xi32, #tpu.memory_space<hbm>>, %arg4: memref<1000000x64xf32, #tpu.memory_space<hbm>>, %arg5: memref<1000000x64xf32, #tpu.memory_space<hbm>>, %arg6: memref<16384xf32, #tpu.memory_space<hbm>>, %arg7: memref<4x128xi32, #tpu.memory_space<vmem>>, %arg8: memref<4x128xi32, #tpu.memory_space<vmem>>, %arg9: memref<512x64xf32, #tpu.memory_space<vmem>>, %arg10: memref<512x64xf32, #tpu.memory_space<vmem>>, %arg11: memref<512xf32, #tpu.memory_space<vmem>>, %arg12: memref<!tpu.dma_semaphore, #tpu.memory_space<semaphore_mem>>) attributes {dimension_semantics = [#tpu.dimension_semantics<core_parallel>, #tpu.dimension_semantics<subcore_parallel>], iteration_bounds = array<i64: 2, 16>, scalar_prefetch = 0 : i64, scratch_operands = 6 : i64, tpu.core_type = #tpu.core_type<sc_vector_subcore>, window_params = [{transform_indices = #map}, {transform_indices = #map}, {transform_indices = #map1}, {transform_indices = #map1}, {transform_indices = #map}]} {
    %mul3A = arith.constant 2 : i32
    %mul3A_0 = arith.muli %arg1, %mul3A : i32
    %add3A = arith.addi %mul3A_0, %arg0 : i32
    %mul3A_1 = arith.constant 512 : i32
    %mul3A_2 = arith.muli %add3A, %mul3A_1 : i32
    %add3A_3 = arith.constant 0 : i32
    %add3A_4 = arith.addi %mul3A_2, %add3A_3 : i32
    %run_scoped3A = arith.constant 0 : i32
    "tpu.region"() ({
      %run_scoped3A_189 = tpu.sem_alloc : memref<!tpu.dma_semaphore, #tpu.memory_space<semaphore_mem>>
      %dma_start3A_190 = arith.constant 0 : i32
      %dma_start3A_191 = tpu.memref_slice %arg7[%run_scoped3A, %dma_start3A_190] : memref<4x128xi32, #tpu.memory_space<vmem>> -> memref<1x128xi32, #tpu.memory_space<vmem>>
      %dma_start3A_192 = tpu.memref_squeeze %dma_start3A_191 : memref<1x128xi32, #tpu.memory_space<vmem>> -> memref<128xi32, #tpu.memory_space<vmem>>
      %dma_start3A_193 = tpu.memref_slice %arg2[%add3A_4] : memref<16384xi32, #tpu.memory_space<hbm>> -> memref<128xi32, #tpu.memory_space<hbm>>
      %dma_start3A_194 = arith.constant 0 : i32
      %dma_start3A_195 = tpu.memref_slice %arg7[%run_scoped3A, %dma_start3A_194] : memref<4x128xi32, #tpu.memory_space<vmem>> -> memref<1x128xi32, #tpu.memory_space<vmem>>
      %dma_start3A_196 = tpu.memref_squeeze %dma_start3A_195 : memref<1x128xi32, #tpu.memory_space<vmem>> -> memref<128xi32, #tpu.memory_space<vmem>>
      %dma_start3A_197 = tpu.memref_slice %arg2[%add3A_4] : memref<16384xi32, #tpu.memory_space<hbm>> -> memref<128xi32, #tpu.memory_space<hbm>>
      tpu.enqueue_dma source(%dma_start3A_197 : memref<128xi32, #tpu.memory_space<hbm>>) target(%dma_start3A_196 : memref<128xi32, #tpu.memory_space<vmem>>) target_semaphore(%run_scoped3A_189 : memref<!tpu.dma_semaphore, #tpu.memory_space<semaphore_mem>>)
      %dma_wait3A_198 = arith.constant 0 : i32
      %dma_wait3A_199 = tpu.memref_slice %arg7[%run_scoped3A, %dma_wait3A_198] : memref<4x128xi32, #tpu.memory_space<vmem>> -> memref<1x128xi32, #tpu.memory_space<vmem>>
      %dma_wait3A_200 = tpu.memref_squeeze %dma_wait3A_199 : memref<1x128xi32, #tpu.memory_space<vmem>> -> memref<128xi32, #tpu.memory_space<vmem>>
      %dma_wait3A_201 = tpu.memref_slice %arg2[%add3A_4] : memref<16384xi32, #tpu.memory_space<hbm>> -> memref<128xi32, #tpu.memory_space<hbm>>
      %dma_wait3A_202 = arith.constant 0 : i32
      %dma_wait3A_203 = tpu.memref_slice %arg7[%run_scoped3A, %dma_wait3A_202] : memref<4x128xi32, #tpu.memory_space<vmem>> -> memref<1x128xi32, #tpu.memory_space<vmem>>
      %dma_wait3A_204 = tpu.memref_squeeze %dma_wait3A_203 : memref<1x128xi32, #tpu.memory_space<vmem>> -> memref<128xi32, #tpu.memory_space<vmem>>
      %dma_wait3A_205 = tpu.memref_slice %arg2[%add3A_4] : memref<16384xi32, #tpu.memory_space<hbm>> -> memref<128xi32, #tpu.memory_space<hbm>>
      tpu.wait_dma2 semaphore(%run_scoped3A_189 : memref<!tpu.dma_semaphore, #tpu.memory_space<semaphore_mem>>) src(%dma_wait3A_205 : memref<128xi32, #tpu.memory_space<hbm>>) dst(%dma_wait3A_204 : memref<128xi32, #tpu.memory_space<vmem>>)
      tpu.yield
    }) : () -> ()
    %add3A_5 = arith.constant 0 : i32
    %add3A_6 = arith.addi %mul3A_2, %add3A_5 : i32
    %run_scoped3A_7 = arith.constant 0 : i32
    "tpu.region"() ({
      %run_scoped3A_189 = tpu.sem_alloc : memref<!tpu.dma_semaphore, #tpu.memory_space<semaphore_mem>>
      %dma_start3A_190 = arith.constant 0 : i32
      %dma_start3A_191 = tpu.memref_slice %arg8[%run_scoped3A_7, %dma_start3A_190] : memref<4x128xi32, #tpu.memory_space<vmem>> -> memref<1x128xi32, #tpu.memory_space<vmem>>
      %dma_start3A_192 = tpu.memref_squeeze %dma_start3A_191 : memref<1x128xi32, #tpu.memory_space<vmem>> -> memref<128xi32, #tpu.memory_space<vmem>>
      %dma_start3A_193 = tpu.memref_slice %arg3[%add3A_6] : memref<16384xi32, #tpu.memory_space<hbm>> -> memref<128xi32, #tpu.memory_space<hbm>>
      %dma_start3A_194 = arith.constant 0 : i32
      %dma_start3A_195 = tpu.memref_slice %arg8[%run_scoped3A_7, %dma_start3A_194] : memref<4x128xi32, #tpu.memory_space<vmem>> -> memref<1x128xi32, #tpu.memory_space<vmem>>
      %dma_start3A_196 = tpu.memref_squeeze %dma_start3A_195 : memref<1x128xi32, #tpu.memory_space<vmem>> -> memref<128xi32, #tpu.memory_space<vmem>>
      %dma_start3A_197 = tpu.memref_slice %arg3[%add3A_6] : memref<16384xi32, #tpu.memory_space<hbm>> -> memref<128xi32, #tpu.memory_space<hbm>>
      tpu.enqueue_dma source(%dma_start3A_197 : memref<128xi32, #tpu.memory_space<hbm>>) target(%dma_start3A_196 : memref<128xi32, #tpu.memory_space<vmem>>) target_semaphore(%run_scoped3A_189 : memref<!tpu.dma_semaphore, #tpu.memory_space<semaphore_mem>>)
      %dma_wait3A_198 = arith.constant 0 : i32
      %dma_wait3A_199 = tpu.memref_slice %arg8[%run_scoped3A_7, %dma_wait3A_198] : memref<4x128xi32, #tpu.memory_space<vmem>> -> memref<1x128xi32, #tpu.memory_space<vmem>>
      %dma_wait3A_200 = tpu.memref_squeeze %dma_wait3A_199 : memref<1x128xi32, #tpu.memory_space<vmem>> -> memref<128xi32, #tpu.memory_space<vmem>>
      %dma_wait3A_201 = tpu.memref_slice %arg3[%add3A_6] : memref<16384xi32, #tpu.memory_space<hbm>> -> memref<128xi32, #tpu.memory_space<hbm>>
      %dma_wait3A_202 = arith.constant 0 : i32
      %dma_wait3A_203 = tpu.memref_slice %arg8[%run_scoped3A_7, %dma_wait3A_202] : memref<4x128xi32, #tpu.memory_space<vmem>> -> memref<1x128xi32, #tpu.memory_space<vmem>>
      %dma_wait3A_204 = tpu.memref_squeeze %dma_wait3A_203 : memref<1x128xi32, #tpu.memory_space<vmem>> -> memref<128xi32, #tpu.memory_space<vmem>>
      %dma_wait3A_205 = tpu.memref_slice %arg3[%add3A_6] : memref<16384xi32, #tpu.memory_space<hbm>> -> memref<128xi32, #tpu.memory_space<hbm>>
      tpu.wait_dma2 semaphore(%run_scoped3A_189 : memref<!tpu.dma_semaphore, #tpu.memory_space<semaphore_mem>>) src(%dma_wait3A_205 : memref<128xi32, #tpu.memory_space<hbm>>) dst(%dma_wait3A_204 : memref<128xi32, #tpu.memory_space<vmem>>)
      tpu.yield
    }) : () -> ()
    %add3A_8 = arith.constant 128 : i32
    %add3A_9 = arith.addi %mul3A_2, %add3A_8 : i32
    %run_scoped3A_10 = arith.constant 1 : i32
    "tpu.region"() ({
      %run_scoped3A_189 = tpu.sem_alloc : memref<!tpu.dma_semaphore, #tpu.memory_space<semaphore_mem>>
      %dma_start3A_190 = arith.constant 0 : i32
      %dma_start3A_191 = tpu.memref_slice %arg7[%run_scoped3A_10, %dma_start3A_190] : memref<4x128xi32, #tpu.memory_space<vmem>> -> memref<1x128xi32, #tpu.memory_space<vmem>>
      %dma_start3A_192 = tpu.memref_squeeze %dma_start3A_191 : memref<1x128xi32, #tpu.memory_space<vmem>> -> memref<128xi32, #tpu.memory_space<vmem>>
      %dma_start3A_193 = tpu.memref_slice %arg2[%add3A_9] : memref<16384xi32, #tpu.memory_space<hbm>> -> memref<128xi32, #tpu.memory_space<hbm>>
      %dma_start3A_194 = arith.constant 0 : i32
      %dma_start3A_195 = tpu.memref_slice %arg7[%run_scoped3A_10, %dma_start3A_194] : memref<4x128xi32, #tpu.memory_space<vmem>> -> memref<1x128xi32, #tpu.memory_space<vmem>>
      %dma_start3A_196 = tpu.memref_squeeze %dma_start3A_195 : memref<1x128xi32, #tpu.memory_space<vmem>> -> memref<128xi32, #tpu.memory_space<vmem>>
      %dma_start3A_197 = tpu.memref_slice %arg2[%add3A_9] : memref<16384xi32, #tpu.memory_space<hbm>> -> memref<128xi32, #tpu.memory_space<hbm>>
      tpu.enqueue_dma source(%dma_start3A_197 : memref<128xi32, #tpu.memory_space<hbm>>) target(%dma_start3A_196 : memref<128xi32, #tpu.memory_space<vmem>>) target_semaphore(%run_scoped3A_189 : memref<!tpu.dma_semaphore, #tpu.memory_space<semaphore_mem>>)
      %dma_wait3A_198 = arith.constant 0 : i32
      %dma_wait3A_199 = tpu.memref_slice %arg7[%run_scoped3A_10, %dma_wait3A_198] : memref<4x128xi32, #tpu.memory_space<vmem>> -> memref<1x128xi32, #tpu.memory_space<vmem>>
      %dma_wait3A_200 = tpu.memref_squeeze %dma_wait3A_199 : memref<1x128xi32, #tpu.memory_space<vmem>> -> memref<128xi32, #tpu.memory_space<vmem>>
      %dma_wait3A_201 = tpu.memref_slice %arg2[%add3A_9] : memref<16384xi32, #tpu.memory_space<hbm>> -> memref<128xi32, #tpu.memory_space<hbm>>
      %dma_wait3A_202 = arith.constant 0 : i32
      %dma_wait3A_203 = tpu.memref_slice %arg7[%run_scoped3A_10, %dma_wait3A_202] : memref<4x128xi32, #tpu.memory_space<vmem>> -> memref<1x128xi32, #tpu.memory_space<vmem>>
      %dma_wait3A_204 = tpu.memref_squeeze %dma_wait3A_203 : memref<1x128xi32, #tpu.memory_space<vmem>> -> memref<128xi32, #tpu.memory_space<vmem>>
      %dma_wait3A_205 = tpu.memref_slice %arg2[%add3A_9] : memref<16384xi32, #tpu.memory_space<hbm>> -> memref<128xi32, #tpu.memory_space<hbm>>
      tpu.wait_dma2 semaphore(%run_scoped3A_189 : memref<!tpu.dma_semaphore, #tpu.memory_space<semaphore_mem>>) src(%dma_wait3A_205 : memref<128xi32, #tpu.memory_space<hbm>>) dst(%dma_wait3A_204 : memref<128xi32, #tpu.memory_space<vmem>>)
      tpu.yield
    }) : () -> ()
    %add3A_11 = arith.constant 128 : i32
    %add3A_12 = arith.addi %mul3A_2, %add3A_11 : i32
    %run_scoped3A_13 = arith.constant 1 : i32
    "tpu.region"() ({
      %run_scoped3A_189 = tpu.sem_alloc : memref<!tpu.dma_semaphore, #tpu.memory_space<semaphore_mem>>
      %dma_start3A_190 = arith.constant 0 : i32
      %dma_start3A_191 = tpu.memref_slice %arg8[%run_scoped3A_13, %dma_start3A_190] : memref<4x128xi32, #tpu.memory_space<vmem>> -> memref<1x128xi32, #tpu.memory_space<vmem>>
      %dma_start3A_192 = tpu.memref_squeeze %dma_start3A_191 : memref<1x128xi32, #tpu.memory_space<vmem>> -> memref<128xi32, #tpu.memory_space<vmem>>
      %dma_start3A_193 = tpu.memref_slice %arg3[%add3A_12] : memref<16384xi32, #tpu.memory_space<hbm>> -> memref<128xi32, #tpu.memory_space<hbm>>
      %dma_start3A_194 = arith.constant 0 : i32
      %dma_start3A_195 = tpu.memref_slice %arg8[%run_scoped3A_13, %dma_start3A_194] : memref<4x128xi32, #tpu.memory_space<vmem>> -> memref<1x128xi32, #tpu.memory_space<vmem>>
      %dma_start3A_196 = tpu.memref_squeeze %dma_start3A_195 : memref<1x128xi32, #tpu.memory_space<vmem>> -> memref<128xi32, #tpu.memory_space<vmem>>
      %dma_start3A_197 = tpu.memref_slice %arg3[%add3A_12] : memref<16384xi32, #tpu.memory_space<hbm>> -> memref<128xi32, #tpu.memory_space<hbm>>
      tpu.enqueue_dma source(%dma_start3A_197 : memref<128xi32, #tpu.memory_space<hbm>>) target(%dma_start3A_196 : memref<128xi32, #tpu.memory_space<vmem>>) target_semaphore(%run_scoped3A_189 : memref<!tpu.dma_semaphore, #tpu.memory_space<semaphore_mem>>)
      %dma_wait3A_198 = arith.constant 0 : i32
      %dma_wait3A_199 = tpu.memref_slice %arg8[%run_scoped3A_13, %dma_wait3A_198] : memref<4x128xi32, #tpu.memory_space<vmem>> -> memref<1x128xi32, #tpu.memory_space<vmem>>
      %dma_wait3A_200 = tpu.memref_squeeze %dma_wait3A_199 : memref<1x128xi32, #tpu.memory_space<vmem>> -> memref<128xi32, #tpu.memory_space<vmem>>
      %dma_wait3A_201 = tpu.memref_slice %arg3[%add3A_12] : memref<16384xi32, #tpu.memory_space<hbm>> -> memref<128xi32, #tpu.memory_space<hbm>>
      %dma_wait3A_202 = arith.constant 0 : i32
      %dma_wait3A_203 = tpu.memref_slice %arg8[%run_scoped3A_13, %dma_wait3A_202] : memref<4x128xi32, #tpu.memory_space<vmem>> -> memref<1x128xi32, #tpu.memory_space<vmem>>
      %dma_wait3A_204 = tpu.memref_squeeze %dma_wait3A_203 : memref<1x128xi32, #tpu.memory_space<vmem>> -> memref<128xi32, #tpu.memory_space<vmem>>
      %dma_wait3A_205 = tpu.memref_slice %arg3[%add3A_12] : memref<16384xi32, #tpu.memory_space<hbm>> -> memref<128xi32, #tpu.memory_space<hbm>>
      tpu.wait_dma2 semaphore(%run_scoped3A_189 : memref<!tpu.dma_semaphore, #tpu.memory_space<semaphore_mem>>) src(%dma_wait3A_205 : memref<128xi32, #tpu.memory_space<hbm>>) dst(%dma_wait3A_204 : memref<128xi32, #tpu.memory_space<vmem>>)
      tpu.yield
    }) : () -> ()
    %add3A_14 = arith.constant 256 : i32
    %add3A_15 = arith.addi %mul3A_2, %add3A_14 : i32
    %run_scoped3A_16 = arith.constant 2 : i32
    "tpu.region"() ({
      %run_scoped3A_189 = tpu.sem_alloc : memref<!tpu.dma_semaphore, #tpu.memory_space<semaphore_mem>>
      %dma_start3A_190 = arith.constant 0 : i32
      %dma_start3A_191 = tpu.memref_slice %arg7[%run_scoped3A_16, %dma_start3A_190] : memref<4x128xi32, #tpu.memory_space<vmem>> -> memref<1x128xi32, #tpu.memory_space<vmem>>
      %dma_start3A_192 = tpu.memref_squeeze %dma_start3A_191 : memref<1x128xi32, #tpu.memory_space<vmem>> -> memref<128xi32, #tpu.memory_space<vmem>>
      %dma_start3A_193 = tpu.memref_slice %arg2[%add3A_15] : memref<16384xi32, #tpu.memory_space<hbm>> -> memref<128xi32, #tpu.memory_space<hbm>>
      %dma_start3A_194 = arith.constant 0 : i32
      %dma_start3A_195 = tpu.memref_slice %arg7[%run_scoped3A_16, %dma_start3A_194] : memref<4x128xi32, #tpu.memory_space<vmem>> -> memref<1x128xi32, #tpu.memory_space<vmem>>
      %dma_start3A_196 = tpu.memref_squeeze %dma_start3A_195 : memref<1x128xi32, #tpu.memory_space<vmem>> -> memref<128xi32, #tpu.memory_space<vmem>>
      %dma_start3A_197 = tpu.memref_slice %arg2[%add3A_15] : memref<16384xi32, #tpu.memory_space<hbm>> -> memref<128xi32, #tpu.memory_space<hbm>>
      tpu.enqueue_dma source(%dma_start3A_197 : memref<128xi32, #tpu.memory_space<hbm>>) target(%dma_start3A_196 : memref<128xi32, #tpu.memory_space<vmem>>) target_semaphore(%run_scoped3A_189 : memref<!tpu.dma_semaphore, #tpu.memory_space<semaphore_mem>>)
      %dma_wait3A_198 = arith.constant 0 : i32
      %dma_wait3A_199 = tpu.memref_slice %arg7[%run_scoped3A_16, %dma_wait3A_198] : memref<4x128xi32, #tpu.memory_space<vmem>> -> memref<1x128xi32, #tpu.memory_space<vmem>>
      %dma_wait3A_200 = tpu.memref_squeeze %dma_wait3A_199 : memref<1x128xi32, #tpu.memory_space<vmem>> -> memref<128xi32, #tpu.memory_space<vmem>>
      %dma_wait3A_201 = tpu.memref_slice %arg2[%add3A_15] : memref<16384xi32, #tpu.memory_space<hbm>> -> memref<128xi32, #tpu.memory_space<hbm>>
      %dma_wait3A_202 = arith.constant 0 : i32
      %dma_wait3A_203 = tpu.memref_slice %arg7[%run_scoped3A_16, %dma_wait3A_202] : memref<4x128xi32, #tpu.memory_space<vmem>> -> memref<1x128xi32, #tpu.memory_space<vmem>>
      %dma_wait3A_204 = tpu.memref_squeeze %dma_wait3A_203 : memref<1x128xi32, #tpu.memory_space<vmem>> -> memref<128xi32, #tpu.memory_space<vmem>>
      %dma_wait3A_205 = tpu.memref_slice %arg2[%add3A_15] : memref<16384xi32, #tpu.memory_space<hbm>> -> memref<128xi32, #tpu.memory_space<hbm>>
      tpu.wait_dma2 semaphore(%run_scoped3A_189 : memref<!tpu.dma_semaphore, #tpu.memory_space<semaphore_mem>>) src(%dma_wait3A_205 : memref<128xi32, #tpu.memory_space<hbm>>) dst(%dma_wait3A_204 : memref<128xi32, #tpu.memory_space<vmem>>)
      tpu.yield
    }) : () -> ()
    %add3A_17 = arith.constant 256 : i32
    %add3A_18 = arith.addi %mul3A_2, %add3A_17 : i32
    %run_scoped3A_19 = arith.constant 2 : i32
    "tpu.region"() ({
      %run_scoped3A_189 = tpu.sem_alloc : memref<!tpu.dma_semaphore, #tpu.memory_space<semaphore_mem>>
      %dma_start3A_190 = arith.constant 0 : i32
      %dma_start3A_191 = tpu.memref_slice %arg8[%run_scoped3A_19, %dma_start3A_190] : memref<4x128xi32, #tpu.memory_space<vmem>> -> memref<1x128xi32, #tpu.memory_space<vmem>>
      %dma_start3A_192 = tpu.memref_squeeze %dma_start3A_191 : memref<1x128xi32, #tpu.memory_space<vmem>> -> memref<128xi32, #tpu.memory_space<vmem>>
      %dma_start3A_193 = tpu.memref_slice %arg3[%add3A_18] : memref<16384xi32, #tpu.memory_space<hbm>> -> memref<128xi32, #tpu.memory_space<hbm>>
      %dma_start3A_194 = arith.constant 0 : i32
      %dma_start3A_195 = tpu.memref_slice %arg8[%run_scoped3A_19, %dma_start3A_194] : memref<4x128xi32, #tpu.memory_space<vmem>> -> memref<1x128xi32, #tpu.memory_space<vmem>>
      %dma_start3A_196 = tpu.memref_squeeze %dma_start3A_195 : memref<1x128xi32, #tpu.memory_space<vmem>> -> memref<128xi32, #tpu.memory_space<vmem>>
      %dma_start3A_197 = tpu.memref_slice %arg3[%add3A_18] : memref<16384xi32, #tpu.memory_space<hbm>> -> memref<128xi32, #tpu.memory_space<hbm>>
      tpu.enqueue_dma source(%dma_start3A_197 : memref<128xi32, #tpu.memory_space<hbm>>) target(%dma_start3A_196 : memref<128xi32, #tpu.memory_space<vmem>>) target_semaphore(%run_scoped3A_189 : memref<!tpu.dma_semaphore, #tpu.memory_space<semaphore_mem>>)
      %dma_wait3A_198 = arith.constant 0 : i32
      %dma_wait3A_199 = tpu.memref_slice %arg8[%run_scoped3A_19, %dma_wait3A_198] : memref<4x128xi32, #tpu.memory_space<vmem>> -> memref<1x128xi32, #tpu.memory_space<vmem>>
      %dma_wait3A_200 = tpu.memref_squeeze %dma_wait3A_199 : memref<1x128xi32, #tpu.memory_space<vmem>> -> memref<128xi32, #tpu.memory_space<vmem>>
      %dma_wait3A_201 = tpu.memref_slice %arg3[%add3A_18] : memref<16384xi32, #tpu.memory_space<hbm>> -> memref<128xi32, #tpu.memory_space<hbm>>
      %dma_wait3A_202 = arith.constant 0 : i32
      %dma_wait3A_203 = tpu.memref_slice %arg8[%run_scoped3A_19, %dma_wait3A_202] : memref<4x128xi32, #tpu.memory_space<vmem>> -> memref<1x128xi32, #tpu.memory_space<vmem>>
      %dma_wait3A_204 = tpu.memref_squeeze %dma_wait3A_203 : memref<1x128xi32, #tpu.memory_space<vmem>> -> memref<128xi32, #tpu.memory_space<vmem>>
      %dma_wait3A_205 = tpu.memref_slice %arg3[%add3A_18] : memref<16384xi32, #tpu.memory_space<hbm>> -> memref<128xi32, #tpu.memory_space<hbm>>
      tpu.wait_dma2 semaphore(%run_scoped3A_189 : memref<!tpu.dma_semaphore, #tpu.memory_space<semaphore_mem>>) src(%dma_wait3A_205 : memref<128xi32, #tpu.memory_space<hbm>>) dst(%dma_wait3A_204 : memref<128xi32, #tpu.memory_space<vmem>>)
      tpu.yield
    }) : () -> ()
    %add3A_20 = arith.constant 384 : i32
    %add3A_21 = arith.addi %mul3A_2, %add3A_20 : i32
    %run_scoped3A_22 = arith.constant 3 : i32
    "tpu.region"() ({
      %run_scoped3A_189 = tpu.sem_alloc : memref<!tpu.dma_semaphore, #tpu.memory_space<semaphore_mem>>
      %dma_start3A_190 = arith.constant 0 : i32
      %dma_start3A_191 = tpu.memref_slice %arg7[%run_scoped3A_22, %dma_start3A_190] : memref<4x128xi32, #tpu.memory_space<vmem>> -> memref<1x128xi32, #tpu.memory_space<vmem>>
      %dma_start3A_192 = tpu.memref_squeeze %dma_start3A_191 : memref<1x128xi32, #tpu.memory_space<vmem>> -> memref<128xi32, #tpu.memory_space<vmem>>
      %dma_start3A_193 = tpu.memref_slice %arg2[%add3A_21] : memref<16384xi32, #tpu.memory_space<hbm>> -> memref<128xi32, #tpu.memory_space<hbm>>
      %dma_start3A_194 = arith.constant 0 : i32
      %dma_start3A_195 = tpu.memref_slice %arg7[%run_scoped3A_22, %dma_start3A_194] : memref<4x128xi32, #tpu.memory_space<vmem>> -> memref<1x128xi32, #tpu.memory_space<vmem>>
      %dma_start3A_196 = tpu.memref_squeeze %dma_start3A_195 : memref<1x128xi32, #tpu.memory_space<vmem>> -> memref<128xi32, #tpu.memory_space<vmem>>
      %dma_start3A_197 = tpu.memref_slice %arg2[%add3A_21] : memref<16384xi32, #tpu.memory_space<hbm>> -> memref<128xi32, #tpu.memory_space<hbm>>
      tpu.enqueue_dma source(%dma_start3A_197 : memref<128xi32, #tpu.memory_space<hbm>>) target(%dma_start3A_196 : memref<128xi32, #tpu.memory_space<vmem>>) target_semaphore(%run_scoped3A_189 : memref<!tpu.dma_semaphore, #tpu.memory_space<semaphore_mem>>)
      %dma_wait3A_198 = arith.constant 0 : i32
      %dma_wait3A_199 = tpu.memref_slice %arg7[%run_scoped3A_22, %dma_wait3A_198] : memref<4x128xi32, #tpu.memory_space<vmem>> -> memref<1x128xi32, #tpu.memory_space<vmem>>
      %dma_wait3A_200 = tpu.memref_squeeze %dma_wait3A_199 : memref<1x128xi32, #tpu.memory_space<vmem>> -> memref<128xi32, #tpu.memory_space<vmem>>
      %dma_wait3A_201 = tpu.memref_slice %arg2[%add3A_21] : memref<16384xi32, #tpu.memory_space<hbm>> -> memref<128xi32, #tpu.memory_space<hbm>>
      %dma_wait3A_202 = arith.constant 0 : i32
      %dma_wait3A_203 = tpu.memref_slice %arg7[%run_scoped3A_22, %dma_wait3A_202] : memref<4x128xi32, #tpu.memory_space<vmem>> -> memref<1x128xi32, #tpu.memory_space<vmem>>
      %dma_wait3A_204 = tpu.memref_squeeze %dma_wait3A_203 : memref<1x128xi32, #tpu.memory_space<vmem>> -> memref<128xi32, #tpu.memory_space<vmem>>
      %dma_wait3A_205 = tpu.memref_slice %arg2[%add3A_21] : memref<16384xi32, #tpu.memory_space<hbm>> -> memref<128xi32, #tpu.memory_space<hbm>>
      tpu.wait_dma2 semaphore(%run_scoped3A_189 : memref<!tpu.dma_semaphore, #tpu.memory_space<semaphore_mem>>) src(%dma_wait3A_205 : memref<128xi32, #tpu.memory_space<hbm>>) dst(%dma_wait3A_204 : memref<128xi32, #tpu.memory_space<vmem>>)
      tpu.yield
    }) : () -> ()
    %add3A_23 = arith.constant 384 : i32
    %add3A_24 = arith.addi %mul3A_2, %add3A_23 : i32
    %run_scoped3A_25 = arith.constant 3 : i32
    "tpu.region"() ({
      %run_scoped3A_189 = tpu.sem_alloc : memref<!tpu.dma_semaphore, #tpu.memory_space<semaphore_mem>>
      %dma_start3A_190 = arith.constant 0 : i32
      %dma_start3A_191 = tpu.memref_slice %arg8[%run_scoped3A_25, %dma_start3A_190] : memref<4x128xi32, #tpu.memory_space<vmem>> -> memref<1x128xi32, #tpu.memory_space<vmem>>
      %dma_start3A_192 = tpu.memref_squeeze %dma_start3A_191 : memref<1x128xi32, #tpu.memory_space<vmem>> -> memref<128xi32, #tpu.memory_space<vmem>>
      %dma_start3A_193 = tpu.memref_slice %arg3[%add3A_24] : memref<16384xi32, #tpu.memory_space<hbm>> -> memref<128xi32, #tpu.memory_space<hbm>>
      %dma_start3A_194 = arith.constant 0 : i32
      %dma_start3A_195 = tpu.memref_slice %arg8[%run_scoped3A_25, %dma_start3A_194] : memref<4x128xi32, #tpu.memory_space<vmem>> -> memref<1x128xi32, #tpu.memory_space<vmem>>
      %dma_start3A_196 = tpu.memref_squeeze %dma_start3A_195 : memref<1x128xi32, #tpu.memory_space<vmem>> -> memref<128xi32, #tpu.memory_space<vmem>>
      %dma_start3A_197 = tpu.memref_slice %arg3[%add3A_24] : memref<16384xi32, #tpu.memory_space<hbm>> -> memref<128xi32, #tpu.memory_space<hbm>>
      tpu.enqueue_dma source(%dma_start3A_197 : memref<128xi32, #tpu.memory_space<hbm>>) target(%dma_start3A_196 : memref<128xi32, #tpu.memory_space<vmem>>) target_semaphore(%run_scoped3A_189 : memref<!tpu.dma_semaphore, #tpu.memory_space<semaphore_mem>>)
      %dma_wait3A_198 = arith.constant 0 : i32
      %dma_wait3A_199 = tpu.memref_slice %arg8[%run_scoped3A_25, %dma_wait3A_198] : memref<4x128xi32, #tpu.memory_space<vmem>> -> memref<1x128xi32, #tpu.memory_space<vmem>>
      %dma_wait3A_200 = tpu.memref_squeeze %dma_wait3A_199 : memref<1x128xi32, #tpu.memory_space<vmem>> -> memref<128xi32, #tpu.memory_space<vmem>>
      %dma_wait3A_201 = tpu.memref_slice %arg3[%add3A_24] : memref<16384xi32, #tpu.memory_space<hbm>> -> memref<128xi32, #tpu.memory_space<hbm>>
      %dma_wait3A_202 = arith.constant 0 : i32
      %dma_wait3A_203 = tpu.memref_slice %arg8[%run_scoped3A_25, %dma_wait3A_202] : memref<4x128xi32, #tpu.memory_space<vmem>> -> memref<1x128xi32, #tpu.memory_space<vmem>>
      %dma_wait3A_204 = tpu.memref_squeeze %dma_wait3A_203 : memref<1x128xi32, #tpu.memory_space<vmem>> -> memref<128xi32, #tpu.memory_space<vmem>>
      %dma_wait3A_205 = tpu.memref_slice %arg3[%add3A_24] : memref<16384xi32, #tpu.memory_space<hbm>> -> memref<128xi32, #tpu.memory_space<hbm>>
      tpu.wait_dma2 semaphore(%run_scoped3A_189 : memref<!tpu.dma_semaphore, #tpu.memory_space<semaphore_mem>>) src(%dma_wait3A_205 : memref<128xi32, #tpu.memory_space<hbm>>) dst(%dma_wait3A_204 : memref<128xi32, #tpu.memory_space<vmem>>)
      tpu.yield
    }) : () -> ()
    %dma_start3A = arith.constant 0 : i32
    %dma_start3A_26 = arith.constant 0 : i32
    %dma_start3A_27 = arith.constant 0 : i32
    %dma_start3A_28 = tpu.memref_slice %arg9[%dma_start3A_26, %dma_start3A_27] : memref<512x64xf32, #tpu.memory_space<vmem>> -> memref<128x64xf32, #tpu.memory_space<vmem>>
    %dma_start3A_29 = arith.constant 0 : i32
    %dma_start3A_30 = tpu.memref_slice %arg7[%dma_start3A, %dma_start3A_29] : memref<4x128xi32, #tpu.memory_space<vmem>> -> memref<1x128xi32, #tpu.memory_space<vmem>>
    %dma_start3A_31 = tpu.memref_squeeze %dma_start3A_30 : memref<1x128xi32, #tpu.memory_space<vmem>> -> memref<128xi32, #tpu.memory_space<vmem>>
    %dma_start3A_32 = arith.constant 0 : i32
    %dma_start3A_33 = arith.constant 0 : i32
    %dma_start3A_34 = tpu.memref_slice %arg4[%dma_start3A_32, %dma_start3A_33] : memref<1000000x64xf32, #tpu.memory_space<hbm>> -> memref<1000000x64xf32, #tpu.memory_space<hbm>>
    tpu.enqueue_indirect_dma source(%dma_start3A_34 : memref<1000000x64xf32, #tpu.memory_space<hbm>>) target(%dma_start3A_28 : memref<128x64xf32, #tpu.memory_space<vmem>>) offsets(%dma_start3A_31 : memref<128xi32, #tpu.memory_space<vmem>>) semaphore(%arg12 : memref<!tpu.dma_semaphore, #tpu.memory_space<semaphore_mem>>)
    %dma_start3A_35 = arith.constant 0 : i32
    %dma_start3A_36 = arith.constant 0 : i32
    %dma_start3A_37 = arith.constant 0 : i32
    %dma_start3A_38 = tpu.memref_slice %arg10[%dma_start3A_36, %dma_start3A_37] : memref<512x64xf32, #tpu.memory_space<vmem>> -> memref<128x64xf32, #tpu.memory_space<vmem>>
    %dma_start3A_39 = arith.constant 0 : i32
    %dma_start3A_40 = tpu.memref_slice %arg8[%dma_start3A_35, %dma_start3A_39] : memref<4x128xi32, #tpu.memory_space<vmem>> -> memref<1x128xi32, #tpu.memory_space<vmem>>
    %dma_start3A_41 = tpu.memref_squeeze %dma_start3A_40 : memref<1x128xi32, #tpu.memory_space<vmem>> -> memref<128xi32, #tpu.memory_space<vmem>>
    %dma_start3A_42 = arith.constant 0 : i32
    %dma_start3A_43 = arith.constant 0 : i32
    %dma_start3A_44 = tpu.memref_slice %arg5[%dma_start3A_42, %dma_start3A_43] : memref<1000000x64xf32, #tpu.memory_space<hbm>> -> memref<1000000x64xf32, #tpu.memory_space<hbm>>
    tpu.enqueue_indirect_dma source(%dma_start3A_44 : memref<1000000x64xf32, #tpu.memory_space<hbm>>) target(%dma_start3A_38 : memref<128x64xf32, #tpu.memory_space<vmem>>) offsets(%dma_start3A_41 : memref<128xi32, #tpu.memory_space<vmem>>) semaphore(%arg12 : memref<!tpu.dma_semaphore, #tpu.memory_space<semaphore_mem>>)
    %dma_start3A_45 = arith.constant 1 : i32
    %dma_start3A_46 = arith.constant 128 : i32
    %dma_start3A_47 = arith.constant 0 : i32
    %dma_start3A_48 = tpu.memref_slice %arg9[%dma_start3A_46, %dma_start3A_47] : memref<512x64xf32, #tpu.memory_space<vmem>> -> memref<128x64xf32, #tpu.memory_space<vmem>>
    %dma_start3A_49 = arith.constant 0 : i32
    %dma_start3A_50 = tpu.memref_slice %arg7[%dma_start3A_45, %dma_start3A_49] : memref<4x128xi32, #tpu.memory_space<vmem>> -> memref<1x128xi32, #tpu.memory_space<vmem>>
    %dma_start3A_51 = tpu.memref_squeeze %dma_start3A_50 : memref<1x128xi32, #tpu.memory_space<vmem>> -> memref<128xi32, #tpu.memory_space<vmem>>
    %dma_start3A_52 = arith.constant 0 : i32
    %dma_start3A_53 = arith.constant 0 : i32
    %dma_start3A_54 = tpu.memref_slice %arg4[%dma_start3A_52, %dma_start3A_53] : memref<1000000x64xf32, #tpu.memory_space<hbm>> -> memref<1000000x64xf32, #tpu.memory_space<hbm>>
    tpu.enqueue_indirect_dma source(%dma_start3A_54 : memref<1000000x64xf32, #tpu.memory_space<hbm>>) target(%dma_start3A_48 : memref<128x64xf32, #tpu.memory_space<vmem>>) offsets(%dma_start3A_51 : memref<128xi32, #tpu.memory_space<vmem>>) semaphore(%arg12 : memref<!tpu.dma_semaphore, #tpu.memory_space<semaphore_mem>>)
    %dma_start3A_55 = arith.constant 1 : i32
    %dma_start3A_56 = arith.constant 128 : i32
    %dma_start3A_57 = arith.constant 0 : i32
    %dma_start3A_58 = tpu.memref_slice %arg10[%dma_start3A_56, %dma_start3A_57] : memref<512x64xf32, #tpu.memory_space<vmem>> -> memref<128x64xf32, #tpu.memory_space<vmem>>
    %dma_start3A_59 = arith.constant 0 : i32
    %dma_start3A_60 = tpu.memref_slice %arg8[%dma_start3A_55, %dma_start3A_59] : memref<4x128xi32, #tpu.memory_space<vmem>> -> memref<1x128xi32, #tpu.memory_space<vmem>>
    %dma_start3A_61 = tpu.memref_squeeze %dma_start3A_60 : memref<1x128xi32, #tpu.memory_space<vmem>> -> memref<128xi32, #tpu.memory_space<vmem>>
    %dma_start3A_62 = arith.constant 0 : i32
    %dma_start3A_63 = arith.constant 0 : i32
    %dma_start3A_64 = tpu.memref_slice %arg5[%dma_start3A_62, %dma_start3A_63] : memref<1000000x64xf32, #tpu.memory_space<hbm>> -> memref<1000000x64xf32, #tpu.memory_space<hbm>>
    tpu.enqueue_indirect_dma source(%dma_start3A_64 : memref<1000000x64xf32, #tpu.memory_space<hbm>>) target(%dma_start3A_58 : memref<128x64xf32, #tpu.memory_space<vmem>>) offsets(%dma_start3A_61 : memref<128xi32, #tpu.memory_space<vmem>>) semaphore(%arg12 : memref<!tpu.dma_semaphore, #tpu.memory_space<semaphore_mem>>)
    %dma_start3A_65 = arith.constant 2 : i32
    %dma_start3A_66 = arith.constant 256 : i32
    %dma_start3A_67 = arith.constant 0 : i32
    %dma_start3A_68 = tpu.memref_slice %arg9[%dma_start3A_66, %dma_start3A_67] : memref<512x64xf32, #tpu.memory_space<vmem>> -> memref<128x64xf32, #tpu.memory_space<vmem>>
    %dma_start3A_69 = arith.constant 0 : i32
    %dma_start3A_70 = tpu.memref_slice %arg7[%dma_start3A_65, %dma_start3A_69] : memref<4x128xi32, #tpu.memory_space<vmem>> -> memref<1x128xi32, #tpu.memory_space<vmem>>
    %dma_start3A_71 = tpu.memref_squeeze %dma_start3A_70 : memref<1x128xi32, #tpu.memory_space<vmem>> -> memref<128xi32, #tpu.memory_space<vmem>>
    %dma_start3A_72 = arith.constant 0 : i32
    %dma_start3A_73 = arith.constant 0 : i32
    %dma_start3A_74 = tpu.memref_slice %arg4[%dma_start3A_72, %dma_start3A_73] : memref<1000000x64xf32, #tpu.memory_space<hbm>> -> memref<1000000x64xf32, #tpu.memory_space<hbm>>
    tpu.enqueue_indirect_dma source(%dma_start3A_74 : memref<1000000x64xf32, #tpu.memory_space<hbm>>) target(%dma_start3A_68 : memref<128x64xf32, #tpu.memory_space<vmem>>) offsets(%dma_start3A_71 : memref<128xi32, #tpu.memory_space<vmem>>) semaphore(%arg12 : memref<!tpu.dma_semaphore, #tpu.memory_space<semaphore_mem>>)
    %dma_start3A_75 = arith.constant 2 : i32
    %dma_start3A_76 = arith.constant 256 : i32
    %dma_start3A_77 = arith.constant 0 : i32
    %dma_start3A_78 = tpu.memref_slice %arg10[%dma_start3A_76, %dma_start3A_77] : memref<512x64xf32, #tpu.memory_space<vmem>> -> memref<128x64xf32, #tpu.memory_space<vmem>>
    %dma_start3A_79 = arith.constant 0 : i32
    %dma_start3A_80 = tpu.memref_slice %arg8[%dma_start3A_75, %dma_start3A_79] : memref<4x128xi32, #tpu.memory_space<vmem>> -> memref<1x128xi32, #tpu.memory_space<vmem>>
    %dma_start3A_81 = tpu.memref_squeeze %dma_start3A_80 : memref<1x128xi32, #tpu.memory_space<vmem>> -> memref<128xi32, #tpu.memory_space<vmem>>
    %dma_start3A_82 = arith.constant 0 : i32
    %dma_start3A_83 = arith.constant 0 : i32
    %dma_start3A_84 = tpu.memref_slice %arg5[%dma_start3A_82, %dma_start3A_83] : memref<1000000x64xf32, #tpu.memory_space<hbm>> -> memref<1000000x64xf32, #tpu.memory_space<hbm>>
    tpu.enqueue_indirect_dma source(%dma_start3A_84 : memref<1000000x64xf32, #tpu.memory_space<hbm>>) target(%dma_start3A_78 : memref<128x64xf32, #tpu.memory_space<vmem>>) offsets(%dma_start3A_81 : memref<128xi32, #tpu.memory_space<vmem>>) semaphore(%arg12 : memref<!tpu.dma_semaphore, #tpu.memory_space<semaphore_mem>>)
    %dma_start3A_85 = arith.constant 3 : i32
    %dma_start3A_86 = arith.constant 384 : i32
    %dma_start3A_87 = arith.constant 0 : i32
    %dma_start3A_88 = tpu.memref_slice %arg9[%dma_start3A_86, %dma_start3A_87] : memref<512x64xf32, #tpu.memory_space<vmem>> -> memref<128x64xf32, #tpu.memory_space<vmem>>
    %dma_start3A_89 = arith.constant 0 : i32
    %dma_start3A_90 = tpu.memref_slice %arg7[%dma_start3A_85, %dma_start3A_89] : memref<4x128xi32, #tpu.memory_space<vmem>> -> memref<1x128xi32, #tpu.memory_space<vmem>>
    %dma_start3A_91 = tpu.memref_squeeze %dma_start3A_90 : memref<1x128xi32, #tpu.memory_space<vmem>> -> memref<128xi32, #tpu.memory_space<vmem>>
    %dma_start3A_92 = arith.constant 0 : i32
    %dma_start3A_93 = arith.constant 0 : i32
    %dma_start3A_94 = tpu.memref_slice %arg4[%dma_start3A_92, %dma_start3A_93] : memref<1000000x64xf32, #tpu.memory_space<hbm>> -> memref<1000000x64xf32, #tpu.memory_space<hbm>>
    tpu.enqueue_indirect_dma source(%dma_start3A_94 : memref<1000000x64xf32, #tpu.memory_space<hbm>>) target(%dma_start3A_88 : memref<128x64xf32, #tpu.memory_space<vmem>>) offsets(%dma_start3A_91 : memref<128xi32, #tpu.memory_space<vmem>>) semaphore(%arg12 : memref<!tpu.dma_semaphore, #tpu.memory_space<semaphore_mem>>)
    %dma_start3A_95 = arith.constant 3 : i32
    %dma_start3A_96 = arith.constant 384 : i32
    %dma_start3A_97 = arith.constant 0 : i32
    %dma_start3A_98 = tpu.memref_slice %arg10[%dma_start3A_96, %dma_start3A_97] : memref<512x64xf32, #tpu.memory_space<vmem>> -> memref<128x64xf32, #tpu.memory_space<vmem>>
    %dma_start3A_99 = arith.constant 0 : i32
    %dma_start3A_100 = tpu.memref_slice %arg8[%dma_start3A_95, %dma_start3A_99] : memref<4x128xi32, #tpu.memory_space<vmem>> -> memref<1x128xi32, #tpu.memory_space<vmem>>
    %dma_start3A_101 = tpu.memref_squeeze %dma_start3A_100 : memref<1x128xi32, #tpu.memory_space<vmem>> -> memref<128xi32, #tpu.memory_space<vmem>>
    %dma_start3A_102 = arith.constant 0 : i32
    %dma_start3A_103 = arith.constant 0 : i32
    %dma_start3A_104 = tpu.memref_slice %arg5[%dma_start3A_102, %dma_start3A_103] : memref<1000000x64xf32, #tpu.memory_space<hbm>> -> memref<1000000x64xf32, #tpu.memory_space<hbm>>
    tpu.enqueue_indirect_dma source(%dma_start3A_104 : memref<1000000x64xf32, #tpu.memory_space<hbm>>) target(%dma_start3A_98 : memref<128x64xf32, #tpu.memory_space<vmem>>) offsets(%dma_start3A_101 : memref<128xi32, #tpu.memory_space<vmem>>) semaphore(%arg12 : memref<!tpu.dma_semaphore, #tpu.memory_space<semaphore_mem>>)
    %dma_wait3A = arith.constant 0 : i32
    %dma_wait3A_105 = arith.constant 0 : i32
    %dma_wait3A_106 = arith.constant 0 : i32
    %dma_wait3A_107 = tpu.memref_slice %arg9[%dma_wait3A_105, %dma_wait3A_106] : memref<512x64xf32, #tpu.memory_space<vmem>> -> memref<128x64xf32, #tpu.memory_space<vmem>>
    %dma_wait3A_108 = arith.constant 0 : i32
    %dma_wait3A_109 = tpu.memref_slice %arg7[%dma_wait3A, %dma_wait3A_108] : memref<4x128xi32, #tpu.memory_space<vmem>> -> memref<1x128xi32, #tpu.memory_space<vmem>>
    %dma_wait3A_110 = tpu.memref_squeeze %dma_wait3A_109 : memref<1x128xi32, #tpu.memory_space<vmem>> -> memref<128xi32, #tpu.memory_space<vmem>>
    %dma_wait3A_111 = arith.constant 0 : i32
    %dma_wait3A_112 = arith.constant 0 : i32
    %dma_wait3A_113 = tpu.memref_slice %arg4[%dma_wait3A_111, %dma_wait3A_112] : memref<1000000x64xf32, #tpu.memory_space<hbm>> -> memref<1000000x64xf32, #tpu.memory_space<hbm>>
    tpu.wait_indirect_dma semaphore(%arg12 : memref<!tpu.dma_semaphore, #tpu.memory_space<semaphore_mem>>) src(%dma_wait3A_113 : memref<1000000x64xf32, #tpu.memory_space<hbm>>) dst(%dma_wait3A_107 : memref<128x64xf32, #tpu.memory_space<vmem>>)
    %dma_wait3A_114 = arith.constant 0 : i32
    %dma_wait3A_115 = arith.constant 0 : i32
    %dma_wait3A_116 = arith.constant 0 : i32
    %dma_wait3A_117 = tpu.memref_slice %arg10[%dma_wait3A_115, %dma_wait3A_116] : memref<512x64xf32, #tpu.memory_space<vmem>> -> memref<128x64xf32, #tpu.memory_space<vmem>>
    %dma_wait3A_118 = arith.constant 0 : i32
    %dma_wait3A_119 = tpu.memref_slice %arg8[%dma_wait3A_114, %dma_wait3A_118] : memref<4x128xi32, #tpu.memory_space<vmem>> -> memref<1x128xi32, #tpu.memory_space<vmem>>
    %dma_wait3A_120 = tpu.memref_squeeze %dma_wait3A_119 : memref<1x128xi32, #tpu.memory_space<vmem>> -> memref<128xi32, #tpu.memory_space<vmem>>
    %dma_wait3A_121 = arith.constant 0 : i32
    %dma_wait3A_122 = arith.constant 0 : i32
    %dma_wait3A_123 = tpu.memref_slice %arg5[%dma_wait3A_121, %dma_wait3A_122] : memref<1000000x64xf32, #tpu.memory_space<hbm>> -> memref<1000000x64xf32, #tpu.memory_space<hbm>>
    tpu.wait_indirect_dma semaphore(%arg12 : memref<!tpu.dma_semaphore, #tpu.memory_space<semaphore_mem>>) src(%dma_wait3A_123 : memref<1000000x64xf32, #tpu.memory_space<hbm>>) dst(%dma_wait3A_117 : memref<128x64xf32, #tpu.memory_space<vmem>>)
    %dma_wait3A_124 = arith.constant 1 : i32
    %dma_wait3A_125 = arith.constant 128 : i32
    %dma_wait3A_126 = arith.constant 0 : i32
    %dma_wait3A_127 = tpu.memref_slice %arg9[%dma_wait3A_125, %dma_wait3A_126] : memref<512x64xf32, #tpu.memory_space<vmem>> -> memref<128x64xf32, #tpu.memory_space<vmem>>
    %dma_wait3A_128 = arith.constant 0 : i32
    %dma_wait3A_129 = tpu.memref_slice %arg7[%dma_wait3A_124, %dma_wait3A_128] : memref<4x128xi32, #tpu.memory_space<vmem>> -> memref<1x128xi32, #tpu.memory_space<vmem>>
    %dma_wait3A_130 = tpu.memref_squeeze %dma_wait3A_129 : memref<1x128xi32, #tpu.memory_space<vmem>> -> memref<128xi32, #tpu.memory_space<vmem>>
    %dma_wait3A_131 = arith.constant 0 : i32
    %dma_wait3A_132 = arith.constant 0 : i32
    %dma_wait3A_133 = tpu.memref_slice %arg4[%dma_wait3A_131, %dma_wait3A_132] : memref<1000000x64xf32, #tpu.memory_space<hbm>> -> memref<1000000x64xf32, #tpu.memory_space<hbm>>
    tpu.wait_indirect_dma semaphore(%arg12 : memref<!tpu.dma_semaphore, #tpu.memory_space<semaphore_mem>>) src(%dma_wait3A_133 : memref<1000000x64xf32, #tpu.memory_space<hbm>>) dst(%dma_wait3A_127 : memref<128x64xf32, #tpu.memory_space<vmem>>)
    %dma_wait3A_134 = arith.constant 1 : i32
    %dma_wait3A_135 = arith.constant 128 : i32
    %dma_wait3A_136 = arith.constant 0 : i32
    %dma_wait3A_137 = tpu.memref_slice %arg10[%dma_wait3A_135, %dma_wait3A_136] : memref<512x64xf32, #tpu.memory_space<vmem>> -> memref<128x64xf32, #tpu.memory_space<vmem>>
    %dma_wait3A_138 = arith.constant 0 : i32
    %dma_wait3A_139 = tpu.memref_slice %arg8[%dma_wait3A_134, %dma_wait3A_138] : memref<4x128xi32, #tpu.memory_space<vmem>> -> memref<1x128xi32, #tpu.memory_space<vmem>>
    %dma_wait3A_140 = tpu.memref_squeeze %dma_wait3A_139 : memref<1x128xi32, #tpu.memory_space<vmem>> -> memref<128xi32, #tpu.memory_space<vmem>>
    %dma_wait3A_141 = arith.constant 0 : i32
    %dma_wait3A_142 = arith.constant 0 : i32
    %dma_wait3A_143 = tpu.memref_slice %arg5[%dma_wait3A_141, %dma_wait3A_142] : memref<1000000x64xf32, #tpu.memory_space<hbm>> -> memref<1000000x64xf32, #tpu.memory_space<hbm>>
    tpu.wait_indirect_dma semaphore(%arg12 : memref<!tpu.dma_semaphore, #tpu.memory_space<semaphore_mem>>) src(%dma_wait3A_143 : memref<1000000x64xf32, #tpu.memory_space<hbm>>) dst(%dma_wait3A_137 : memref<128x64xf32, #tpu.memory_space<vmem>>)
    %dma_wait3A_144 = arith.constant 2 : i32
    %dma_wait3A_145 = arith.constant 256 : i32
    %dma_wait3A_146 = arith.constant 0 : i32
    %dma_wait3A_147 = tpu.memref_slice %arg9[%dma_wait3A_145, %dma_wait3A_146] : memref<512x64xf32, #tpu.memory_space<vmem>> -> memref<128x64xf32, #tpu.memory_space<vmem>>
    %dma_wait3A_148 = arith.constant 0 : i32
    %dma_wait3A_149 = tpu.memref_slice %arg7[%dma_wait3A_144, %dma_wait3A_148] : memref<4x128xi32, #tpu.memory_space<vmem>> -> memref<1x128xi32, #tpu.memory_space<vmem>>
    %dma_wait3A_150 = tpu.memref_squeeze %dma_wait3A_149 : memref<1x128xi32, #tpu.memory_space<vmem>> -> memref<128xi32, #tpu.memory_space<vmem>>
    %dma_wait3A_151 = arith.constant 0 : i32
    %dma_wait3A_152 = arith.constant 0 : i32
    %dma_wait3A_153 = tpu.memref_slice %arg4[%dma_wait3A_151, %dma_wait3A_152] : memref<1000000x64xf32, #tpu.memory_space<hbm>> -> memref<1000000x64xf32, #tpu.memory_space<hbm>>
    tpu.wait_indirect_dma semaphore(%arg12 : memref<!tpu.dma_semaphore, #tpu.memory_space<semaphore_mem>>) src(%dma_wait3A_153 : memref<1000000x64xf32, #tpu.memory_space<hbm>>) dst(%dma_wait3A_147 : memref<128x64xf32, #tpu.memory_space<vmem>>)
    %dma_wait3A_154 = arith.constant 2 : i32
    %dma_wait3A_155 = arith.constant 256 : i32
    %dma_wait3A_156 = arith.constant 0 : i32
    %dma_wait3A_157 = tpu.memref_slice %arg10[%dma_wait3A_155, %dma_wait3A_156] : memref<512x64xf32, #tpu.memory_space<vmem>> -> memref<128x64xf32, #tpu.memory_space<vmem>>
    %dma_wait3A_158 = arith.constant 0 : i32
    %dma_wait3A_159 = tpu.memref_slice %arg8[%dma_wait3A_154, %dma_wait3A_158] : memref<4x128xi32, #tpu.memory_space<vmem>> -> memref<1x128xi32, #tpu.memory_space<vmem>>
    %dma_wait3A_160 = tpu.memref_squeeze %dma_wait3A_159 : memref<1x128xi32, #tpu.memory_space<vmem>> -> memref<128xi32, #tpu.memory_space<vmem>>
    %dma_wait3A_161 = arith.constant 0 : i32
    %dma_wait3A_162 = arith.constant 0 : i32
    %dma_wait3A_163 = tpu.memref_slice %arg5[%dma_wait3A_161, %dma_wait3A_162] : memref<1000000x64xf32, #tpu.memory_space<hbm>> -> memref<1000000x64xf32, #tpu.memory_space<hbm>>
    tpu.wait_indirect_dma semaphore(%arg12 : memref<!tpu.dma_semaphore, #tpu.memory_space<semaphore_mem>>) src(%dma_wait3A_163 : memref<1000000x64xf32, #tpu.memory_space<hbm>>) dst(%dma_wait3A_157 : memref<128x64xf32, #tpu.memory_space<vmem>>)
    %dma_wait3A_164 = arith.constant 3 : i32
    %dma_wait3A_165 = arith.constant 384 : i32
    %dma_wait3A_166 = arith.constant 0 : i32
    %dma_wait3A_167 = tpu.memref_slice %arg9[%dma_wait3A_165, %dma_wait3A_166] : memref<512x64xf32, #tpu.memory_space<vmem>> -> memref<128x64xf32, #tpu.memory_space<vmem>>
    %dma_wait3A_168 = arith.constant 0 : i32
    %dma_wait3A_169 = tpu.memref_slice %arg7[%dma_wait3A_164, %dma_wait3A_168] : memref<4x128xi32, #tpu.memory_space<vmem>> -> memref<1x128xi32, #tpu.memory_space<vmem>>
    %dma_wait3A_170 = tpu.memref_squeeze %dma_wait3A_169 : memref<1x128xi32, #tpu.memory_space<vmem>> -> memref<128xi32, #tpu.memory_space<vmem>>
    %dma_wait3A_171 = arith.constant 0 : i32
    %dma_wait3A_172 = arith.constant 0 : i32
    %dma_wait3A_173 = tpu.memref_slice %arg4[%dma_wait3A_171, %dma_wait3A_172] : memref<1000000x64xf32, #tpu.memory_space<hbm>> -> memref<1000000x64xf32, #tpu.memory_space<hbm>>
    tpu.wait_indirect_dma semaphore(%arg12 : memref<!tpu.dma_semaphore, #tpu.memory_space<semaphore_mem>>) src(%dma_wait3A_173 : memref<1000000x64xf32, #tpu.memory_space<hbm>>) dst(%dma_wait3A_167 : memref<128x64xf32, #tpu.memory_space<vmem>>)
    %dma_wait3A_174 = arith.constant 3 : i32
    %dma_wait3A_175 = arith.constant 384 : i32
    %dma_wait3A_176 = arith.constant 0 : i32
    %dma_wait3A_177 = tpu.memref_slice %arg10[%dma_wait3A_175, %dma_wait3A_176] : memref<512x64xf32, #tpu.memory_space<vmem>> -> memref<128x64xf32, #tpu.memory_space<vmem>>
    %dma_wait3A_178 = arith.constant 0 : i32
    %dma_wait3A_179 = tpu.memref_slice %arg8[%dma_wait3A_174, %dma_wait3A_178] : memref<4x128xi32, #tpu.memory_space<vmem>> -> memref<1x128xi32, #tpu.memory_space<vmem>>
    %dma_wait3A_180 = tpu.memref_squeeze %dma_wait3A_179 : memref<1x128xi32, #tpu.memory_space<vmem>> -> memref<128xi32, #tpu.memory_space<vmem>>
    %dma_wait3A_181 = arith.constant 0 : i32
    %dma_wait3A_182 = arith.constant 0 : i32
    %dma_wait3A_183 = tpu.memref_slice %arg5[%dma_wait3A_181, %dma_wait3A_182] : memref<1000000x64xf32, #tpu.memory_space<hbm>> -> memref<1000000x64xf32, #tpu.memory_space<hbm>>
    tpu.wait_indirect_dma semaphore(%arg12 : memref<!tpu.dma_semaphore, #tpu.memory_space<semaphore_mem>>) src(%dma_wait3A_183 : memref<1000000x64xf32, #tpu.memory_space<hbm>>) dst(%dma_wait3A_177 : memref<128x64xf32, #tpu.memory_space<vmem>>)
    %iota3A = tpu.iota {dimensions = array<i32: 0>} : vector<16xi32>
    %scan3A = arith.constant 0 : i32
    %scan3A_184 = arith.constant 0 : i32
    %scan3A_185 = arith.constant 32 : i32
    %scan3A_186 = arith.addi %scan3A_184, %scan3A_185 : i32
    %scan3A_187 = arith.constant 1 : i32
    scf.for %scan3A_189 = %scan3A_184 to %scan3A_186 step %scan3A_187  : i32 {
      %mul3A_190 = arith.constant 16 : i32
      %mul3A_191 = arith.muli %scan3A_189, %mul3A_190 : i32
      %broadcast_in_dim3A = arith.constant 0.000000e+00 : f32
      %broadcast_in_dim3A_192 = vector.broadcast %broadcast_in_dim3A : f32 to vector<16xf32>
      %add3A_193 = arith.constant 0 : i32
      %add3A_194 = arith.addi %mul3A_191, %add3A_193 : i32
      %get3A = arith.index_cast %add3A_194 : i32 to index
      %get3A_195 = arith.constant 0 : index
      %get3A_196 = tpu.vector_load %arg9[%get3A, %get3A_195] {strides = array<i32>} : memref<512x64xf32, #tpu.memory_space<vmem>>, vector<16xf32>,
      %get3A_197 = arith.index_cast %add3A_194 : i32 to index
      %get3A_198 = arith.constant 0 : index
      %get3A_199 = tpu.vector_load %arg10[%get3A_197, %get3A_198] {strides = array<i32>} : memref<512x64xf32, #tpu.memory_space<vmem>>, vector<16xf32>,
      %mul3A_200 = arith.mulf %get3A_196, %get3A_199 : vector<16xf32>
      %get3A_201 = arith.index_cast %add3A_194 : i32 to index
      %get3A_202 = arith.constant 16 : index
      %get3A_203 = tpu.vector_load %arg9[%get3A_201, %get3A_202] {strides = array<i32>} : memref<512x64xf32, #tpu.memory_space<vmem>>, vector<16xf32>,
      %get3A_204 = arith.index_cast %add3A_194 : i32 to index
      %get3A_205 = arith.constant 16 : index
      %get3A_206 = tpu.vector_load %arg10[%get3A_204, %get3A_205] {strides = array<i32>} : memref<512x64xf32, #tpu.memory_space<vmem>>, vector<16xf32>,
      %mul3A_207 = arith.mulf %get3A_203, %get3A_206 : vector<16xf32>
      %add3A_208 = arith.addf %mul3A_200, %mul3A_207 : vector<16xf32>
      %get3A_209 = arith.index_cast %add3A_194 : i32 to index
      %get3A_210 = arith.constant 32 : index
      %get3A_211 = tpu.vector_load %arg9[%get3A_209, %get3A_210] {strides = array<i32>} : memref<512x64xf32, #tpu.memory_space<vmem>>, vector<16xf32>,
      %get3A_212 = arith.index_cast %add3A_194 : i32 to index
      %get3A_213 = arith.constant 32 : index
      %get3A_214 = tpu.vector_load %arg10[%get3A_212, %get3A_213] {strides = array<i32>} : memref<512x64xf32, #tpu.memory_space<vmem>>, vector<16xf32>,
      %mul3A_215 = arith.mulf %get3A_211, %get3A_214 : vector<16xf32>
      %add3A_216 = arith.addf %add3A_208, %mul3A_215 : vector<16xf32>
      %get3A_217 = arith.index_cast %add3A_194 : i32 to index
      %get3A_218 = arith.constant 48 : index
      %get3A_219 = tpu.vector_load %arg9[%get3A_217, %get3A_218] {strides = array<i32>} : memref<512x64xf32, #tpu.memory_space<vmem>>, vector<16xf32>,
      %get3A_220 = arith.index_cast %add3A_194 : i32 to index
      %get3A_221 = arith.constant 48 : index
      %get3A_222 = tpu.vector_load %arg10[%get3A_220, %get3A_221] {strides = array<i32>} : memref<512x64xf32, #tpu.memory_space<vmem>>, vector<16xf32>,
      %mul3A_223 = arith.mulf %get3A_219, %get3A_222 : vector<16xf32>
      %add3A_224 = arith.addf %add3A_216, %mul3A_223 : vector<16xf32>
      %eq3A = arith.constant 0 : i32
      %eq3A_225 = vector.broadcast %eq3A : i32 to vector<16xi32>
      %eq3A_226 = arith.cmpi eq, %iota3A, %eq3A_225 : vector<16xi32>
      %reduce_sum3A = arith.constant true
      %reduce_sum3A_227 = vector.broadcast %reduce_sum3A : i1 to vector<16xi1>
      %reduce_sum3A_228 = tpu.scan <sum>, %add3A_224 masked %reduce_sum3A_227 : vector<16xf32>, vector<16xi1> -> vector<16xf32>
      %reduce_sum3A_229 = vector.extract %reduce_sum3A_228[15] : f32 from vector<16xf32>
      %broadcast_in_dim3A_230 = vector.broadcast %reduce_sum3A_229 : f32 to vector<16xf32>
      %select_n3A = arith.select %eq3A_226, %broadcast_in_dim3A_230, %broadcast_in_dim3A_192 : vector<16xi1>, vector<16xf32>
      %add3A_231 = arith.constant 1 : i32
      %add3A_232 = arith.addi %mul3A_191, %add3A_231 : i32
      %get3A_233 = arith.index_cast %add3A_232 : i32 to index
      %get3A_234 = arith.constant 0 : index
      %get3A_235 = tpu.vector_load %arg9[%get3A_233, %get3A_234] {strides = array<i32>} : memref<512x64xf32, #tpu.memory_space<vmem>>, vector<16xf32>,
      %get3A_236 = arith.index_cast %add3A_232 : i32 to index
      %get3A_237 = arith.constant 0 : index
      %get3A_238 = tpu.vector_load %arg10[%get3A_236, %get3A_237] {strides = array<i32>} : memref<512x64xf32, #tpu.memory_space<vmem>>, vector<16xf32>,
      %mul3A_239 = arith.mulf %get3A_235, %get3A_238 : vector<16xf32>
      %get3A_240 = arith.index_cast %add3A_232 : i32 to index
      %get3A_241 = arith.constant 16 : index
      %get3A_242 = tpu.vector_load %arg9[%get3A_240, %get3A_241] {strides = array<i32>} : memref<512x64xf32, #tpu.memory_space<vmem>>, vector<16xf32>,
      %get3A_243 = arith.index_cast %add3A_232 : i32 to index
      %get3A_244 = arith.constant 16 : index
      %get3A_245 = tpu.vector_load %arg10[%get3A_243, %get3A_244] {strides = array<i32>} : memref<512x64xf32, #tpu.memory_space<vmem>>, vector<16xf32>,
      %mul3A_246 = arith.mulf %get3A_242, %get3A_245 : vector<16xf32>
      %add3A_247 = arith.addf %mul3A_239, %mul3A_246 : vector<16xf32>
      %get3A_248 = arith.index_cast %add3A_232 : i32 to index
      %get3A_249 = arith.constant 32 : index
      %get3A_250 = tpu.vector_load %arg9[%get3A_248, %get3A_249] {strides = array<i32>} : memref<512x64xf32, #tpu.memory_space<vmem>>, vector<16xf32>,
      %get3A_251 = arith.index_cast %add3A_232 : i32 to index
      %get3A_252 = arith.constant 32 : index
      %get3A_253 = tpu.vector_load %arg10[%get3A_251, %get3A_252] {strides = array<i32>} : memref<512x64xf32, #tpu.memory_space<vmem>>, vector<16xf32>,
      %mul3A_254 = arith.mulf %get3A_250, %get3A_253 : vector<16xf32>
      %add3A_255 = arith.addf %add3A_247, %mul3A_254 : vector<16xf32>
      %get3A_256 = arith.index_cast %add3A_232 : i32 to index
      %get3A_257 = arith.constant 48 : index
      %get3A_258 = tpu.vector_load %arg9[%get3A_256, %get3A_257] {strides = array<i32>} : memref<512x64xf32, #tpu.memory_space<vmem>>, vector<16xf32>,
      %get3A_259 = arith.index_cast %add3A_232 : i32 to index
      %get3A_260 = arith.constant 48 : index
      %get3A_261 = tpu.vector_load %arg10[%get3A_259, %get3A_260] {strides = array<i32>} : memref<512x64xf32, #tpu.memory_space<vmem>>, vector<16xf32>,
      %mul3A_262 = arith.mulf %get3A_258, %get3A_261 : vector<16xf32>
      %add3A_263 = arith.addf %add3A_255, %mul3A_262 : vector<16xf32>
      %eq3A_264 = arith.constant 1 : i32
      %eq3A_265 = vector.broadcast %eq3A_264 : i32 to vector<16xi32>
      %eq3A_266 = arith.cmpi eq, %iota3A, %eq3A_265 : vector<16xi32>
      %reduce_sum3A_267 = arith.constant true
      %reduce_sum3A_268 = vector.broadcast %reduce_sum3A_267 : i1 to vector<16xi1>
      %reduce_sum3A_269 = tpu.scan <sum>, %add3A_263 masked %reduce_sum3A_268 : vector<16xf32>, vector<16xi1> -> vector<16xf32>
      %reduce_sum3A_270 = vector.extract %reduce_sum3A_269[15] : f32 from vector<16xf32>
      %broadcast_in_dim3A_271 = vector.broadcast %reduce_sum3A_270 : f32 to vector<16xf32>
      %select_n3A_272 = arith.select %eq3A_266, %broadcast_in_dim3A_271, %select_n3A : vector<16xi1>, vector<16xf32>
      %add3A_273 = arith.constant 2 : i32
      %add3A_274 = arith.addi %mul3A_191, %add3A_273 : i32
      %get3A_275 = arith.index_cast %add3A_274 : i32 to index
      %get3A_276 = arith.constant 0 : index
      %get3A_277 = tpu.vector_load %arg9[%get3A_275, %get3A_276] {strides = array<i32>} : memref<512x64xf32, #tpu.memory_space<vmem>>, vector<16xf32>,
      %get3A_278 = arith.index_cast %add3A_274 : i32 to index
      %get3A_279 = arith.constant 0 : index
      %get3A_280 = tpu.vector_load %arg10[%get3A_278, %get3A_279] {strides = array<i32>} : memref<512x64xf32, #tpu.memory_space<vmem>>, vector<16xf32>,
      %mul3A_281 = arith.mulf %get3A_277, %get3A_280 : vector<16xf32>
      %get3A_282 = arith.index_cast %add3A_274 : i32 to index
      %get3A_283 = arith.constant 16 : index
      %get3A_284 = tpu.vector_load %arg9[%get3A_282, %get3A_283] {strides = array<i32>} : memref<512x64xf32, #tpu.memory_space<vmem>>, vector<16xf32>,
      %get3A_285 = arith.index_cast %add3A_274 : i32 to index
      %get3A_286 = arith.constant 16 : index
      %get3A_287 = tpu.vector_load %arg10[%get3A_285, %get3A_286] {strides = array<i32>} : memref<512x64xf32, #tpu.memory_space<vmem>>, vector<16xf32>,
      %mul3A_288 = arith.mulf %get3A_284, %get3A_287 : vector<16xf32>
      %add3A_289 = arith.addf %mul3A_281, %mul3A_288 : vector<16xf32>
      %get3A_290 = arith.index_cast %add3A_274 : i32 to index
      %get3A_291 = arith.constant 32 : index
      %get3A_292 = tpu.vector_load %arg9[%get3A_290, %get3A_291] {strides = array<i32>} : memref<512x64xf32, #tpu.memory_space<vmem>>, vector<16xf32>,
      %get3A_293 = arith.index_cast %add3A_274 : i32 to index
      %get3A_294 = arith.constant 32 : index
      %get3A_295 = tpu.vector_load %arg10[%get3A_293, %get3A_294] {strides = array<i32>} : memref<512x64xf32, #tpu.memory_space<vmem>>, vector<16xf32>,
      %mul3A_296 = arith.mulf %get3A_292, %get3A_295 : vector<16xf32>
      %add3A_297 = arith.addf %add3A_289, %mul3A_296 : vector<16xf32>
      %get3A_298 = arith.index_cast %add3A_274 : i32 to index
      %get3A_299 = arith.constant 48 : index
      %get3A_300 = tpu.vector_load %arg9[%get3A_298, %get3A_299] {strides = array<i32>} : memref<512x64xf32, #tpu.memory_space<vmem>>, vector<16xf32>,
      %get3A_301 = arith.index_cast %add3A_274 : i32 to index
      %get3A_302 = arith.constant 48 : index
      %get3A_303 = tpu.vector_load %arg10[%get3A_301, %get3A_302] {strides = array<i32>} : memref<512x64xf32, #tpu.memory_space<vmem>>, vector<16xf32>,
      %mul3A_304 = arith.mulf %get3A_300, %get3A_303 : vector<16xf32>
      %add3A_305 = arith.addf %add3A_297, %mul3A_304 : vector<16xf32>
      %eq3A_306 = arith.constant 2 : i32
      %eq3A_307 = vector.broadcast %eq3A_306 : i32 to vector<16xi32>
      %eq3A_308 = arith.cmpi eq, %iota3A, %eq3A_307 : vector<16xi32>
      %reduce_sum3A_309 = arith.constant true
      %reduce_sum3A_310 = vector.broadcast %reduce_sum3A_309 : i1 to vector<16xi1>
      %reduce_sum3A_311 = tpu.scan <sum>, %add3A_305 masked %reduce_sum3A_310 : vector<16xf32>, vector<16xi1> -> vector<16xf32>
      %reduce_sum3A_312 = vector.extract %reduce_sum3A_311[15] : f32 from vector<16xf32>
      %broadcast_in_dim3A_313 = vector.broadcast %reduce_sum3A_312 : f32 to vector<16xf32>
      %select_n3A_314 = arith.select %eq3A_308, %broadcast_in_dim3A_313, %select_n3A_272 : vector<16xi1>, vector<16xf32>
      %add3A_315 = arith.constant 3 : i32
      %add3A_316 = arith.addi %mul3A_191, %add3A_315 : i32
      %get3A_317 = arith.index_cast %add3A_316 : i32 to index
      %get3A_318 = arith.constant 0 : index
      %get3A_319 = tpu.vector_load %arg9[%get3A_317, %get3A_318] {strides = array<i32>} : memref<512x64xf32, #tpu.memory_space<vmem>>, vector<16xf32>,
      %get3A_320 = arith.index_cast %add3A_316 : i32 to index
      %get3A_321 = arith.constant 0 : index
      %get3A_322 = tpu.vector_load %arg10[%get3A_320, %get3A_321] {strides = array<i32>} : memref<512x64xf32, #tpu.memory_space<vmem>>, vector<16xf32>,
      %mul3A_323 = arith.mulf %get3A_319, %get3A_322 : vector<16xf32>
      %get3A_324 = arith.index_cast %add3A_316 : i32 to index
      %get3A_325 = arith.constant 16 : index
      %get3A_326 = tpu.vector_load %arg9[%get3A_324, %get3A_325] {strides = array<i32>} : memref<512x64xf32, #tpu.memory_space<vmem>>, vector<16xf32>,
      %get3A_327 = arith.index_cast %add3A_316 : i32 to index
      %get3A_328 = arith.constant 16 : index
      %get3A_329 = tpu.vector_load %arg10[%get3A_327, %get3A_328] {strides = array<i32>} : memref<512x64xf32, #tpu.memory_space<vmem>>, vector<16xf32>,
      %mul3A_330 = arith.mulf %get3A_326, %get3A_329 : vector<16xf32>
      %add3A_331 = arith.addf %mul3A_323, %mul3A_330 : vector<16xf32>
      %get3A_332 = arith.index_cast %add3A_316 : i32 to index
      %get3A_333 = arith.constant 32 : index
      %get3A_334 = tpu.vector_load %arg9[%get3A_332, %get3A_333] {strides = array<i32>} : memref<512x64xf32, #tpu.memory_space<vmem>>, vector<16xf32>,
      %get3A_335 = arith.index_cast %add3A_316 : i32 to index
      %get3A_336 = arith.constant 32 : index
      %get3A_337 = tpu.vector_load %arg10[%get3A_335, %get3A_336] {strides = array<i32>} : memref<512x64xf32, #tpu.memory_space<vmem>>, vector<16xf32>,
      %mul3A_338 = arith.mulf %get3A_334, %get3A_337 : vector<16xf32>
      %add3A_339 = arith.addf %add3A_331, %mul3A_338 : vector<16xf32>
      %get3A_340 = arith.index_cast %add3A_316 : i32 to index
      %get3A_341 = arith.constant 48 : index
      %get3A_342 = tpu.vector_load %arg9[%get3A_340, %get3A_341] {strides = array<i32>} : memref<512x64xf32, #tpu.memory_space<vmem>>, vector<16xf32>,
      %get3A_343 = arith.index_cast %add3A_316 : i32 to index
      %get3A_344 = arith.constant 48 : index
      %get3A_345 = tpu.vector_load %arg10[%get3A_343, %get3A_344] {strides = array<i32>} : memref<512x64xf32, #tpu.memory_space<vmem>>, vector<16xf32>,
      %mul3A_346 = arith.mulf %get3A_342, %get3A_345 : vector<16xf32>
      %add3A_347 = arith.addf %add3A_339, %mul3A_346 : vector<16xf32>
      %eq3A_348 = arith.constant 3 : i32
      %eq3A_349 = vector.broadcast %eq3A_348 : i32 to vector<16xi32>
      %eq3A_350 = arith.cmpi eq, %iota3A, %eq3A_349 : vector<16xi32>
      %reduce_sum3A_351 = arith.constant true
      %reduce_sum3A_352 = vector.broadcast %reduce_sum3A_351 : i1 to vector<16xi1>
      %reduce_sum3A_353 = tpu.scan <sum>, %add3A_347 masked %reduce_sum3A_352 : vector<16xf32>, vector<16xi1> -> vector<16xf32>
      %reduce_sum3A_354 = vector.extract %reduce_sum3A_353[15] : f32 from vector<16xf32>
      %broadcast_in_dim3A_355 = vector.broadcast %reduce_sum3A_354 : f32 to vector<16xf32>
      %select_n3A_356 = arith.select %eq3A_350, %broadcast_in_dim3A_355, %select_n3A_314 : vector<16xi1>, vector<16xf32>
      %add3A_357 = arith.constant 4 : i32
      %add3A_358 = arith.addi %mul3A_191, %add3A_357 : i32
      %get3A_359 = arith.index_cast %add3A_358 : i32 to index
      %get3A_360 = arith.constant 0 : index
      %get3A_361 = tpu.vector_load %arg9[%get3A_359, %get3A_360] {strides = array<i32>} : memref<512x64xf32, #tpu.memory_space<vmem>>, vector<16xf32>,
      %get3A_362 = arith.index_cast %add3A_358 : i32 to index
      %get3A_363 = arith.constant 0 : index
      %get3A_364 = tpu.vector_load %arg10[%get3A_362, %get3A_363] {strides = array<i32>} : memref<512x64xf32, #tpu.memory_space<vmem>>, vector<16xf32>,
      %mul3A_365 = arith.mulf %get3A_361, %get3A_364 : vector<16xf32>
      %get3A_366 = arith.index_cast %add3A_358 : i32 to index
      %get3A_367 = arith.constant 16 : index
      %get3A_368 = tpu.vector_load %arg9[%get3A_366, %get3A_367] {strides = array<i32>} : memref<512x64xf32, #tpu.memory_space<vmem>>, vector<16xf32>,
      %get3A_369 = arith.index_cast %add3A_358 : i32 to index
      %get3A_370 = arith.constant 16 : index
      %get3A_371 = tpu.vector_load %arg10[%get3A_369, %get3A_370] {strides = array<i32>} : memref<512x64xf32, #tpu.memory_space<vmem>>, vector<16xf32>,
      %mul3A_372 = arith.mulf %get3A_368, %get3A_371 : vector<16xf32>
      %add3A_373 = arith.addf %mul3A_365, %mul3A_372 : vector<16xf32>
      %get3A_374 = arith.index_cast %add3A_358 : i32 to index
      %get3A_375 = arith.constant 32 : index
      %get3A_376 = tpu.vector_load %arg9[%get3A_374, %get3A_375] {strides = array<i32>} : memref<512x64xf32, #tpu.memory_space<vmem>>, vector<16xf32>,
      %get3A_377 = arith.index_cast %add3A_358 : i32 to index
      %get3A_378 = arith.constant 32 : index
      %get3A_379 = tpu.vector_load %arg10[%get3A_377, %get3A_378] {strides = array<i32>} : memref<512x64xf32, #tpu.memory_space<vmem>>, vector<16xf32>,
      %mul3A_380 = arith.mulf %get3A_376, %get3A_379 : vector<16xf32>
      %add3A_381 = arith.addf %add3A_373, %mul3A_380 : vector<16xf32>
      %get3A_382 = arith.index_cast %add3A_358 : i32 to index
      %get3A_383 = arith.constant 48 : index
      %get3A_384 = tpu.vector_load %arg9[%get3A_382, %get3A_383] {strides = array<i32>} : memref<512x64xf32, #tpu.memory_space<vmem>>, vector<16xf32>,
      %get3A_385 = arith.index_cast %add3A_358 : i32 to index
      %get3A_386 = arith.constant 48 : index
      %get3A_387 = tpu.vector_load %arg10[%get3A_385, %get3A_386] {strides = array<i32>} : memref<512x64xf32, #tpu.memory_space<vmem>>, vector<16xf32>,
      %mul3A_388 = arith.mulf %get3A_384, %get3A_387 : vector<16xf32>
      %add3A_389 = arith.addf %add3A_381, %mul3A_388 : vector<16xf32>
      %eq3A_390 = arith.constant 4 : i32
      %eq3A_391 = vector.broadcast %eq3A_390 : i32 to vector<16xi32>
      %eq3A_392 = arith.cmpi eq, %iota3A, %eq3A_391 : vector<16xi32>
      %reduce_sum3A_393 = arith.constant true
      %reduce_sum3A_394 = vector.broadcast %reduce_sum3A_393 : i1 to vector<16xi1>
      %reduce_sum3A_395 = tpu.scan <sum>, %add3A_389 masked %reduce_sum3A_394 : vector<16xf32>, vector<16xi1> -> vector<16xf32>
      %reduce_sum3A_396 = vector.extract %reduce_sum3A_395[15] : f32 from vector<16xf32>
      %broadcast_in_dim3A_397 = vector.broadcast %reduce_sum3A_396 : f32 to vector<16xf32>
      %select_n3A_398 = arith.select %eq3A_392, %broadcast_in_dim3A_397, %select_n3A_356 : vector<16xi1>, vector<16xf32>
      %add3A_399 = arith.constant 5 : i32
      %add3A_400 = arith.addi %mul3A_191, %add3A_399 : i32
      %get3A_401 = arith.index_cast %add3A_400 : i32 to index
      %get3A_402 = arith.constant 0 : index
      %get3A_403 = tpu.vector_load %arg9[%get3A_401, %get3A_402] {strides = array<i32>} : memref<512x64xf32, #tpu.memory_space<vmem>>, vector<16xf32>,
      %get3A_404 = arith.index_cast %add3A_400 : i32 to index
      %get3A_405 = arith.constant 0 : index
      %get3A_406 = tpu.vector_load %arg10[%get3A_404, %get3A_405] {strides = array<i32>} : memref<512x64xf32, #tpu.memory_space<vmem>>, vector<16xf32>,
      %mul3A_407 = arith.mulf %get3A_403, %get3A_406 : vector<16xf32>
      %get3A_408 = arith.index_cast %add3A_400 : i32 to index
      %get3A_409 = arith.constant 16 : index
      %get3A_410 = tpu.vector_load %arg9[%get3A_408, %get3A_409] {strides = array<i32>} : memref<512x64xf32, #tpu.memory_space<vmem>>, vector<16xf32>,
      %get3A_411 = arith.index_cast %add3A_400 : i32 to index
      %get3A_412 = arith.constant 16 : index
      %get3A_413 = tpu.vector_load %arg10[%get3A_411, %get3A_412] {strides = array<i32>} : memref<512x64xf32, #tpu.memory_space<vmem>>, vector<16xf32>,
      %mul3A_414 = arith.mulf %get3A_410, %get3A_413 : vector<16xf32>
      %add3A_415 = arith.addf %mul3A_407, %mul3A_414 : vector<16xf32>
      %get3A_416 = arith.index_cast %add3A_400 : i32 to index
      %get3A_417 = arith.constant 32 : index
      %get3A_418 = tpu.vector_load %arg9[%get3A_416, %get3A_417] {strides = array<i32>} : memref<512x64xf32, #tpu.memory_space<vmem>>, vector<16xf32>,
      %get3A_419 = arith.index_cast %add3A_400 : i32 to index
      %get3A_420 = arith.constant 32 : index
      %get3A_421 = tpu.vector_load %arg10[%get3A_419, %get3A_420] {strides = array<i32>} : memref<512x64xf32, #tpu.memory_space<vmem>>, vector<16xf32>,
      %mul3A_422 = arith.mulf %get3A_418, %get3A_421 : vector<16xf32>
      %add3A_423 = arith.addf %add3A_415, %mul3A_422 : vector<16xf32>
      %get3A_424 = arith.index_cast %add3A_400 : i32 to index
      %get3A_425 = arith.constant 48 : index
      %get3A_426 = tpu.vector_load %arg9[%get3A_424, %get3A_425] {strides = array<i32>} : memref<512x64xf32, #tpu.memory_space<vmem>>, vector<16xf32>,
      %get3A_427 = arith.index_cast %add3A_400 : i32 to index
      %get3A_428 = arith.constant 48 : index
      %get3A_429 = tpu.vector_load %arg10[%get3A_427, %get3A_428] {strides = array<i32>} : memref<512x64xf32, #tpu.memory_space<vmem>>, vector<16xf32>,
      %mul3A_430 = arith.mulf %get3A_426, %get3A_429 : vector<16xf32>
      %add3A_431 = arith.addf %add3A_423, %mul3A_430 : vector<16xf32>
      %eq3A_432 = arith.constant 5 : i32
      %eq3A_433 = vector.broadcast %eq3A_432 : i32 to vector<16xi32>
      %eq3A_434 = arith.cmpi eq, %iota3A, %eq3A_433 : vector<16xi32>
      %reduce_sum3A_435 = arith.constant true
      %reduce_sum3A_436 = vector.broadcast %reduce_sum3A_435 : i1 to vector<16xi1>
      %reduce_sum3A_437 = tpu.scan <sum>, %add3A_431 masked %reduce_sum3A_436 : vector<16xf32>, vector<16xi1> -> vector<16xf32>
      %reduce_sum3A_438 = vector.extract %reduce_sum3A_437[15] : f32 from vector<16xf32>
      %broadcast_in_dim3A_439 = vector.broadcast %reduce_sum3A_438 : f32 to vector<16xf32>
      %select_n3A_440 = arith.select %eq3A_434, %broadcast_in_dim3A_439, %select_n3A_398 : vector<16xi1>, vector<16xf32>
      %add3A_441 = arith.constant 6 : i32
      %add3A_442 = arith.addi %mul3A_191, %add3A_441 : i32
      %get3A_443 = arith.index_cast %add3A_442 : i32 to index
      %get3A_444 = arith.constant 0 : index
      %get3A_445 = tpu.vector_load %arg9[%get3A_443, %get3A_444] {strides = array<i32>} : memref<512x64xf32, #tpu.memory_space<vmem>>, vector<16xf32>,
      %get3A_446 = arith.index_cast %add3A_442 : i32 to index
      %get3A_447 = arith.constant 0 : index
      %get3A_448 = tpu.vector_load %arg10[%get3A_446, %get3A_447] {strides = array<i32>} : memref<512x64xf32, #tpu.memory_space<vmem>>, vector<16xf32>,
      %mul3A_449 = arith.mulf %get3A_445, %get3A_448 : vector<16xf32>
      %get3A_450 = arith.index_cast %add3A_442 : i32 to index
      %get3A_451 = arith.constant 16 : index
      %get3A_452 = tpu.vector_load %arg9[%get3A_450, %get3A_451] {strides = array<i32>} : memref<512x64xf32, #tpu.memory_space<vmem>>, vector<16xf32>,
      %get3A_453 = arith.index_cast %add3A_442 : i32 to index
      %get3A_454 = arith.constant 16 : index
      %get3A_455 = tpu.vector_load %arg10[%get3A_453, %get3A_454] {strides = array<i32>} : memref<512x64xf32, #tpu.memory_space<vmem>>, vector<16xf32>,
      %mul3A_456 = arith.mulf %get3A_452, %get3A_455 : vector<16xf32>
      %add3A_457 = arith.addf %mul3A_449, %mul3A_456 : vector<16xf32>
      %get3A_458 = arith.index_cast %add3A_442 : i32 to index
      %get3A_459 = arith.constant 32 : index
      %get3A_460 = tpu.vector_load %arg9[%get3A_458, %get3A_459] {strides = array<i32>} : memref<512x64xf32, #tpu.memory_space<vmem>>, vector<16xf32>,
      %get3A_461 = arith.index_cast %add3A_442 : i32 to index
      %get3A_462 = arith.constant 32 : index
      %get3A_463 = tpu.vector_load %arg10[%get3A_461, %get3A_462] {strides = array<i32>} : memref<512x64xf32, #tpu.memory_space<vmem>>, vector<16xf32>,
      %mul3A_464 = arith.mulf %get3A_460, %get3A_463 : vector<16xf32>
      %add3A_465 = arith.addf %add3A_457, %mul3A_464 : vector<16xf32>
      %get3A_466 = arith.index_cast %add3A_442 : i32 to index
      %get3A_467 = arith.constant 48 : index
      %get3A_468 = tpu.vector_load %arg9[%get3A_466, %get3A_467] {strides = array<i32>} : memref<512x64xf32, #tpu.memory_space<vmem>>, vector<16xf32>,
      %get3A_469 = arith.index_cast %add3A_442 : i32 to index
      %get3A_470 = arith.constant 48 : index
      %get3A_471 = tpu.vector_load %arg10[%get3A_469, %get3A_470] {strides = array<i32>} : memref<512x64xf32, #tpu.memory_space<vmem>>, vector<16xf32>,
      %mul3A_472 = arith.mulf %get3A_468, %get3A_471 : vector<16xf32>
      %add3A_473 = arith.addf %add3A_465, %mul3A_472 : vector<16xf32>
      %eq3A_474 = arith.constant 6 : i32
      %eq3A_475 = vector.broadcast %eq3A_474 : i32 to vector<16xi32>
      %eq3A_476 = arith.cmpi eq, %iota3A, %eq3A_475 : vector<16xi32>
      %reduce_sum3A_477 = arith.constant true
      %reduce_sum3A_478 = vector.broadcast %reduce_sum3A_477 : i1 to vector<16xi1>
      %reduce_sum3A_479 = tpu.scan <sum>, %add3A_473 masked %reduce_sum3A_478 : vector<16xf32>, vector<16xi1> -> vector<16xf32>
      %reduce_sum3A_480 = vector.extract %reduce_sum3A_479[15] : f32 from vector<16xf32>
      %broadcast_in_dim3A_481 = vector.broadcast %reduce_sum3A_480 : f32 to vector<16xf32>
      %select_n3A_482 = arith.select %eq3A_476, %broadcast_in_dim3A_481, %select_n3A_440 : vector<16xi1>, vector<16xf32>
      %add3A_483 = arith.constant 7 : i32
      %add3A_484 = arith.addi %mul3A_191, %add3A_483 : i32
      %get3A_485 = arith.index_cast %add3A_484 : i32 to index
      %get3A_486 = arith.constant 0 : index
      %get3A_487 = tpu.vector_load %arg9[%get3A_485, %get3A_486] {strides = array<i32>} : memref<512x64xf32, #tpu.memory_space<vmem>>, vector<16xf32>,
      %get3A_488 = arith.index_cast %add3A_484 : i32 to index
      %get3A_489 = arith.constant 0 : index
      %get3A_490 = tpu.vector_load %arg10[%get3A_488, %get3A_489] {strides = array<i32>} : memref<512x64xf32, #tpu.memory_space<vmem>>, vector<16xf32>,
      %mul3A_491 = arith.mulf %get3A_487, %get3A_490 : vector<16xf32>
      %get3A_492 = arith.index_cast %add3A_484 : i32 to index
      %get3A_493 = arith.constant 16 : index
      %get3A_494 = tpu.vector_load %arg9[%get3A_492, %get3A_493] {strides = array<i32>} : memref<512x64xf32, #tpu.memory_space<vmem>>, vector<16xf32>,
      %get3A_495 = arith.index_cast %add3A_484 : i32 to index
      %get3A_496 = arith.constant 16 : index
      %get3A_497 = tpu.vector_load %arg10[%get3A_495, %get3A_496] {strides = array<i32>} : memref<512x64xf32, #tpu.memory_space<vmem>>, vector<16xf32>,
      %mul3A_498 = arith.mulf %get3A_494, %get3A_497 : vector<16xf32>
      %add3A_499 = arith.addf %mul3A_491, %mul3A_498 : vector<16xf32>
      %get3A_500 = arith.index_cast %add3A_484 : i32 to index
      %get3A_501 = arith.constant 32 : index
      %get3A_502 = tpu.vector_load %arg9[%get3A_500, %get3A_501] {strides = array<i32>} : memref<512x64xf32, #tpu.memory_space<vmem>>, vector<16xf32>,
      %get3A_503 = arith.index_cast %add3A_484 : i32 to index
      %get3A_504 = arith.constant 32 : index
      %get3A_505 = tpu.vector_load %arg10[%get3A_503, %get3A_504] {strides = array<i32>} : memref<512x64xf32, #tpu.memory_space<vmem>>, vector<16xf32>,
      %mul3A_506 = arith.mulf %get3A_502, %get3A_505 : vector<16xf32>
      %add3A_507 = arith.addf %add3A_499, %mul3A_506 : vector<16xf32>
      %get3A_508 = arith.index_cast %add3A_484 : i32 to index
      %get3A_509 = arith.constant 48 : index
      %get3A_510 = tpu.vector_load %arg9[%get3A_508, %get3A_509] {strides = array<i32>} : memref<512x64xf32, #tpu.memory_space<vmem>>, vector<16xf32>,
      %get3A_511 = arith.index_cast %add3A_484 : i32 to index
      %get3A_512 = arith.constant 48 : index
      %get3A_513 = tpu.vector_load %arg10[%get3A_511, %get3A_512] {strides = array<i32>} : memref<512x64xf32, #tpu.memory_space<vmem>>, vector<16xf32>,
      %mul3A_514 = arith.mulf %get3A_510, %get3A_513 : vector<16xf32>
      %add3A_515 = arith.addf %add3A_507, %mul3A_514 : vector<16xf32>
      %eq3A_516 = arith.constant 7 : i32
      %eq3A_517 = vector.broadcast %eq3A_516 : i32 to vector<16xi32>
      %eq3A_518 = arith.cmpi eq, %iota3A, %eq3A_517 : vector<16xi32>
      %reduce_sum3A_519 = arith.constant true
      %reduce_sum3A_520 = vector.broadcast %reduce_sum3A_519 : i1 to vector<16xi1>
      %reduce_sum3A_521 = tpu.scan <sum>, %add3A_515 masked %reduce_sum3A_520 : vector<16xf32>, vector<16xi1> -> vector<16xf32>
      %reduce_sum3A_522 = vector.extract %reduce_sum3A_521[15] : f32 from vector<16xf32>
      %broadcast_in_dim3A_523 = vector.broadcast %reduce_sum3A_522 : f32 to vector<16xf32>
      %select_n3A_524 = arith.select %eq3A_518, %broadcast_in_dim3A_523, %select_n3A_482 : vector<16xi1>, vector<16xf32>
      %add3A_525 = arith.constant 8 : i32
      %add3A_526 = arith.addi %mul3A_191, %add3A_525 : i32
      %get3A_527 = arith.index_cast %add3A_526 : i32 to index
      %get3A_528 = arith.constant 0 : index
      %get3A_529 = tpu.vector_load %arg9[%get3A_527, %get3A_528] {strides = array<i32>} : memref<512x64xf32, #tpu.memory_space<vmem>>, vector<16xf32>,
      %get3A_530 = arith.index_cast %add3A_526 : i32 to index
      %get3A_531 = arith.constant 0 : index
      %get3A_532 = tpu.vector_load %arg10[%get3A_530, %get3A_531] {strides = array<i32>} : memref<512x64xf32, #tpu.memory_space<vmem>>, vector<16xf32>,
      %mul3A_533 = arith.mulf %get3A_529, %get3A_532 : vector<16xf32>
      %get3A_534 = arith.index_cast %add3A_526 : i32 to index
      %get3A_535 = arith.constant 16 : index
      %get3A_536 = tpu.vector_load %arg9[%get3A_534, %get3A_535] {strides = array<i32>} : memref<512x64xf32, #tpu.memory_space<vmem>>, vector<16xf32>,
      %get3A_537 = arith.index_cast %add3A_526 : i32 to index
      %get3A_538 = arith.constant 16 : index
      %get3A_539 = tpu.vector_load %arg10[%get3A_537, %get3A_538] {strides = array<i32>} : memref<512x64xf32, #tpu.memory_space<vmem>>, vector<16xf32>,
      %mul3A_540 = arith.mulf %get3A_536, %get3A_539 : vector<16xf32>
      %add3A_541 = arith.addf %mul3A_533, %mul3A_540 : vector<16xf32>
      %get3A_542 = arith.index_cast %add3A_526 : i32 to index
      %get3A_543 = arith.constant 32 : index
      %get3A_544 = tpu.vector_load %arg9[%get3A_542, %get3A_543] {strides = array<i32>} : memref<512x64xf32, #tpu.memory_space<vmem>>, vector<16xf32>,
      %get3A_545 = arith.index_cast %add3A_526 : i32 to index
      %get3A_546 = arith.constant 32 : index
      %get3A_547 = tpu.vector_load %arg10[%get3A_545, %get3A_546] {strides = array<i32>} : memref<512x64xf32, #tpu.memory_space<vmem>>, vector<16xf32>,
      %mul3A_548 = arith.mulf %get3A_544, %get3A_547 : vector<16xf32>
      %add3A_549 = arith.addf %add3A_541, %mul3A_548 : vector<16xf32>
      %get3A_550 = arith.index_cast %add3A_526 : i32 to index
      %get3A_551 = arith.constant 48 : index
      %get3A_552 = tpu.vector_load %arg9[%get3A_550, %get3A_551] {strides = array<i32>} : memref<512x64xf32, #tpu.memory_space<vmem>>, vector<16xf32>,
      %get3A_553 = arith.index_cast %add3A_526 : i32 to index
      %get3A_554 = arith.constant 48 : index
      %get3A_555 = tpu.vector_load %arg10[%get3A_553, %get3A_554] {strides = array<i32>} : memref<512x64xf32, #tpu.memory_space<vmem>>, vector<16xf32>,
      %mul3A_556 = arith.mulf %get3A_552, %get3A_555 : vector<16xf32>
      %add3A_557 = arith.addf %add3A_549, %mul3A_556 : vector<16xf32>
      %eq3A_558 = arith.constant 8 : i32
      %eq3A_559 = vector.broadcast %eq3A_558 : i32 to vector<16xi32>
      %eq3A_560 = arith.cmpi eq, %iota3A, %eq3A_559 : vector<16xi32>
      %reduce_sum3A_561 = arith.constant true
      %reduce_sum3A_562 = vector.broadcast %reduce_sum3A_561 : i1 to vector<16xi1>
      %reduce_sum3A_563 = tpu.scan <sum>, %add3A_557 masked %reduce_sum3A_562 : vector<16xf32>, vector<16xi1> -> vector<16xf32>
      %reduce_sum3A_564 = vector.extract %reduce_sum3A_563[15] : f32 from vector<16xf32>
      %broadcast_in_dim3A_565 = vector.broadcast %reduce_sum3A_564 : f32 to vector<16xf32>
      %select_n3A_566 = arith.select %eq3A_560, %broadcast_in_dim3A_565, %select_n3A_524 : vector<16xi1>, vector<16xf32>
      %add3A_567 = arith.constant 9 : i32
      %add3A_568 = arith.addi %mul3A_191, %add3A_567 : i32
      %get3A_569 = arith.index_cast %add3A_568 : i32 to index
      %get3A_570 = arith.constant 0 : index
      %get3A_571 = tpu.vector_load %arg9[%get3A_569, %get3A_570] {strides = array<i32>} : memref<512x64xf32, #tpu.memory_space<vmem>>, vector<16xf32>,
      %get3A_572 = arith.index_cast %add3A_568 : i32 to index
      %get3A_573 = arith.constant 0 : index
      %get3A_574 = tpu.vector_load %arg10[%get3A_572, %get3A_573] {strides = array<i32>} : memref<512x64xf32, #tpu.memory_space<vmem>>, vector<16xf32>,
      %mul3A_575 = arith.mulf %get3A_571, %get3A_574 : vector<16xf32>
      %get3A_576 = arith.index_cast %add3A_568 : i32 to index
      %get3A_577 = arith.constant 16 : index
      %get3A_578 = tpu.vector_load %arg9[%get3A_576, %get3A_577] {strides = array<i32>} : memref<512x64xf32, #tpu.memory_space<vmem>>, vector<16xf32>,
      %get3A_579 = arith.index_cast %add3A_568 : i32 to index
      %get3A_580 = arith.constant 16 : index
      %get3A_581 = tpu.vector_load %arg10[%get3A_579, %get3A_580] {strides = array<i32>} : memref<512x64xf32, #tpu.memory_space<vmem>>, vector<16xf32>,
      %mul3A_582 = arith.mulf %get3A_578, %get3A_581 : vector<16xf32>
      %add3A_583 = arith.addf %mul3A_575, %mul3A_582 : vector<16xf32>
      %get3A_584 = arith.index_cast %add3A_568 : i32 to index
      %get3A_585 = arith.constant 32 : index
      %get3A_586 = tpu.vector_load %arg9[%get3A_584, %get3A_585] {strides = array<i32>} : memref<512x64xf32, #tpu.memory_space<vmem>>, vector<16xf32>,
      %get3A_587 = arith.index_cast %add3A_568 : i32 to index
      %get3A_588 = arith.constant 32 : index
      %get3A_589 = tpu.vector_load %arg10[%get3A_587, %get3A_588] {strides = array<i32>} : memref<512x64xf32, #tpu.memory_space<vmem>>, vector<16xf32>,
      %mul3A_590 = arith.mulf %get3A_586, %get3A_589 : vector<16xf32>
      %add3A_591 = arith.addf %add3A_583, %mul3A_590 : vector<16xf32>
      %get3A_592 = arith.index_cast %add3A_568 : i32 to index
      %get3A_593 = arith.constant 48 : index
      %get3A_594 = tpu.vector_load %arg9[%get3A_592, %get3A_593] {strides = array<i32>} : memref<512x64xf32, #tpu.memory_space<vmem>>, vector<16xf32>,
      %get3A_595 = arith.index_cast %add3A_568 : i32 to index
      %get3A_596 = arith.constant 48 : index
      %get3A_597 = tpu.vector_load %arg10[%get3A_595, %get3A_596] {strides = array<i32>} : memref<512x64xf32, #tpu.memory_space<vmem>>, vector<16xf32>,
      %mul3A_598 = arith.mulf %get3A_594, %get3A_597 : vector<16xf32>
      %add3A_599 = arith.addf %add3A_591, %mul3A_598 : vector<16xf32>
      %eq3A_600 = arith.constant 9 : i32
      %eq3A_601 = vector.broadcast %eq3A_600 : i32 to vector<16xi32>
      %eq3A_602 = arith.cmpi eq, %iota3A, %eq3A_601 : vector<16xi32>
      %reduce_sum3A_603 = arith.constant true
      %reduce_sum3A_604 = vector.broadcast %reduce_sum3A_603 : i1 to vector<16xi1>
      %reduce_sum3A_605 = tpu.scan <sum>, %add3A_599 masked %reduce_sum3A_604 : vector<16xf32>, vector<16xi1> -> vector<16xf32>
      %reduce_sum3A_606 = vector.extract %reduce_sum3A_605[15] : f32 from vector<16xf32>
      %broadcast_in_dim3A_607 = vector.broadcast %reduce_sum3A_606 : f32 to vector<16xf32>
      %select_n3A_608 = arith.select %eq3A_602, %broadcast_in_dim3A_607, %select_n3A_566 : vector<16xi1>, vector<16xf32>
      %add3A_609 = arith.constant 10 : i32
      %add3A_610 = arith.addi %mul3A_191, %add3A_609 : i32
      %get3A_611 = arith.index_cast %add3A_610 : i32 to index
      %get3A_612 = arith.constant 0 : index
      %get3A_613 = tpu.vector_load %arg9[%get3A_611, %get3A_612] {strides = array<i32>} : memref<512x64xf32, #tpu.memory_space<vmem>>, vector<16xf32>,
      %get3A_614 = arith.index_cast %add3A_610 : i32 to index
      %get3A_615 = arith.constant 0 : index
      %get3A_616 = tpu.vector_load %arg10[%get3A_614, %get3A_615] {strides = array<i32>} : memref<512x64xf32, #tpu.memory_space<vmem>>, vector<16xf32>,
      %mul3A_617 = arith.mulf %get3A_613, %get3A_616 : vector<16xf32>
      %get3A_618 = arith.index_cast %add3A_610 : i32 to index
      %get3A_619 = arith.constant 16 : index
      %get3A_620 = tpu.vector_load %arg9[%get3A_618, %get3A_619] {strides = array<i32>} : memref<512x64xf32, #tpu.memory_space<vmem>>, vector<16xf32>,
      %get3A_621 = arith.index_cast %add3A_610 : i32 to index
      %get3A_622 = arith.constant 16 : index
      %get3A_623 = tpu.vector_load %arg10[%get3A_621, %get3A_622] {strides = array<i32>} : memref<512x64xf32, #tpu.memory_space<vmem>>, vector<16xf32>,
      %mul3A_624 = arith.mulf %get3A_620, %get3A_623 : vector<16xf32>
      %add3A_625 = arith.addf %mul3A_617, %mul3A_624 : vector<16xf32>
      %get3A_626 = arith.index_cast %add3A_610 : i32 to index
      %get3A_627 = arith.constant 32 : index
      %get3A_628 = tpu.vector_load %arg9[%get3A_626, %get3A_627] {strides = array<i32>} : memref<512x64xf32, #tpu.memory_space<vmem>>, vector<16xf32>,
      %get3A_629 = arith.index_cast %add3A_610 : i32 to index
      %get3A_630 = arith.constant 32 : index
      %get3A_631 = tpu.vector_load %arg10[%get3A_629, %get3A_630] {strides = array<i32>} : memref<512x64xf32, #tpu.memory_space<vmem>>, vector<16xf32>,
      %mul3A_632 = arith.mulf %get3A_628, %get3A_631 : vector<16xf32>
      %add3A_633 = arith.addf %add3A_625, %mul3A_632 : vector<16xf32>
      %get3A_634 = arith.index_cast %add3A_610 : i32 to index
      %get3A_635 = arith.constant 48 : index
      %get3A_636 = tpu.vector_load %arg9[%get3A_634, %get3A_635] {strides = array<i32>} : memref<512x64xf32, #tpu.memory_space<vmem>>, vector<16xf32>,
      %get3A_637 = arith.index_cast %add3A_610 : i32 to index
      %get3A_638 = arith.constant 48 : index
      %get3A_639 = tpu.vector_load %arg10[%get3A_637, %get3A_638] {strides = array<i32>} : memref<512x64xf32, #tpu.memory_space<vmem>>, vector<16xf32>,
      %mul3A_640 = arith.mulf %get3A_636, %get3A_639 : vector<16xf32>
      %add3A_641 = arith.addf %add3A_633, %mul3A_640 : vector<16xf32>
      %eq3A_642 = arith.constant 10 : i32
      %eq3A_643 = vector.broadcast %eq3A_642 : i32 to vector<16xi32>
      %eq3A_644 = arith.cmpi eq, %iota3A, %eq3A_643 : vector<16xi32>
      %reduce_sum3A_645 = arith.constant true
      %reduce_sum3A_646 = vector.broadcast %reduce_sum3A_645 : i1 to vector<16xi1>
      %reduce_sum3A_647 = tpu.scan <sum>, %add3A_641 masked %reduce_sum3A_646 : vector<16xf32>, vector<16xi1> -> vector<16xf32>
      %reduce_sum3A_648 = vector.extract %reduce_sum3A_647[15] : f32 from vector<16xf32>
      %broadcast_in_dim3A_649 = vector.broadcast %reduce_sum3A_648 : f32 to vector<16xf32>
      %select_n3A_650 = arith.select %eq3A_644, %broadcast_in_dim3A_649, %select_n3A_608 : vector<16xi1>, vector<16xf32>
      %add3A_651 = arith.constant 11 : i32
      %add3A_652 = arith.addi %mul3A_191, %add3A_651 : i32
      %get3A_653 = arith.index_cast %add3A_652 : i32 to index
      %get3A_654 = arith.constant 0 : index
      %get3A_655 = tpu.vector_load %arg9[%get3A_653, %get3A_654] {strides = array<i32>} : memref<512x64xf32, #tpu.memory_space<vmem>>, vector<16xf32>,
      %get3A_656 = arith.index_cast %add3A_652 : i32 to index
      %get3A_657 = arith.constant 0 : index
      %get3A_658 = tpu.vector_load %arg10[%get3A_656, %get3A_657] {strides = array<i32>} : memref<512x64xf32, #tpu.memory_space<vmem>>, vector<16xf32>,
      %mul3A_659 = arith.mulf %get3A_655, %get3A_658 : vector<16xf32>
      %get3A_660 = arith.index_cast %add3A_652 : i32 to index
      %get3A_661 = arith.constant 16 : index
      %get3A_662 = tpu.vector_load %arg9[%get3A_660, %get3A_661] {strides = array<i32>} : memref<512x64xf32, #tpu.memory_space<vmem>>, vector<16xf32>,
      %get3A_663 = arith.index_cast %add3A_652 : i32 to index
      %get3A_664 = arith.constant 16 : index
      %get3A_665 = tpu.vector_load %arg10[%get3A_663, %get3A_664] {strides = array<i32>} : memref<512x64xf32, #tpu.memory_space<vmem>>, vector<16xf32>,
      %mul3A_666 = arith.mulf %get3A_662, %get3A_665 : vector<16xf32>
      %add3A_667 = arith.addf %mul3A_659, %mul3A_666 : vector<16xf32>
      %get3A_668 = arith.index_cast %add3A_652 : i32 to index
      %get3A_669 = arith.constant 32 : index
      %get3A_670 = tpu.vector_load %arg9[%get3A_668, %get3A_669] {strides = array<i32>} : memref<512x64xf32, #tpu.memory_space<vmem>>, vector<16xf32>,
      %get3A_671 = arith.index_cast %add3A_652 : i32 to index
      %get3A_672 = arith.constant 32 : index
      %get3A_673 = tpu.vector_load %arg10[%get3A_671, %get3A_672] {strides = array<i32>} : memref<512x64xf32, #tpu.memory_space<vmem>>, vector<16xf32>,
      %mul3A_674 = arith.mulf %get3A_670, %get3A_673 : vector<16xf32>
      %add3A_675 = arith.addf %add3A_667, %mul3A_674 : vector<16xf32>
      %get3A_676 = arith.index_cast %add3A_652 : i32 to index
      %get3A_677 = arith.constant 48 : index
      %get3A_678 = tpu.vector_load %arg9[%get3A_676, %get3A_677] {strides = array<i32>} : memref<512x64xf32, #tpu.memory_space<vmem>>, vector<16xf32>,
      %get3A_679 = arith.index_cast %add3A_652 : i32 to index
      %get3A_680 = arith.constant 48 : index
      %get3A_681 = tpu.vector_load %arg10[%get3A_679, %get3A_680] {strides = array<i32>} : memref<512x64xf32, #tpu.memory_space<vmem>>, vector<16xf32>,
      %mul3A_682 = arith.mulf %get3A_678, %get3A_681 : vector<16xf32>
      %add3A_683 = arith.addf %add3A_675, %mul3A_682 : vector<16xf32>
      %eq3A_684 = arith.constant 11 : i32
      %eq3A_685 = vector.broadcast %eq3A_684 : i32 to vector<16xi32>
      %eq3A_686 = arith.cmpi eq, %iota3A, %eq3A_685 : vector<16xi32>
      %reduce_sum3A_687 = arith.constant true
      %reduce_sum3A_688 = vector.broadcast %reduce_sum3A_687 : i1 to vector<16xi1>
      %reduce_sum3A_689 = tpu.scan <sum>, %add3A_683 masked %reduce_sum3A_688 : vector<16xf32>, vector<16xi1> -> vector<16xf32>
      %reduce_sum3A_690 = vector.extract %reduce_sum3A_689[15] : f32 from vector<16xf32>
      %broadcast_in_dim3A_691 = vector.broadcast %reduce_sum3A_690 : f32 to vector<16xf32>
      %select_n3A_692 = arith.select %eq3A_686, %broadcast_in_dim3A_691, %select_n3A_650 : vector<16xi1>, vector<16xf32>
      %add3A_693 = arith.constant 12 : i32
      %add3A_694 = arith.addi %mul3A_191, %add3A_693 : i32
      %get3A_695 = arith.index_cast %add3A_694 : i32 to index
      %get3A_696 = arith.constant 0 : index
      %get3A_697 = tpu.vector_load %arg9[%get3A_695, %get3A_696] {strides = array<i32>} : memref<512x64xf32, #tpu.memory_space<vmem>>, vector<16xf32>,
      %get3A_698 = arith.index_cast %add3A_694 : i32 to index
      %get3A_699 = arith.constant 0 : index
      %get3A_700 = tpu.vector_load %arg10[%get3A_698, %get3A_699] {strides = array<i32>} : memref<512x64xf32, #tpu.memory_space<vmem>>, vector<16xf32>,
      %mul3A_701 = arith.mulf %get3A_697, %get3A_700 : vector<16xf32>
      %get3A_702 = arith.index_cast %add3A_694 : i32 to index
      %get3A_703 = arith.constant 16 : index
      %get3A_704 = tpu.vector_load %arg9[%get3A_702, %get3A_703] {strides = array<i32>} : memref<512x64xf32, #tpu.memory_space<vmem>>, vector<16xf32>,
      %get3A_705 = arith.index_cast %add3A_694 : i32 to index
      %get3A_706 = arith.constant 16 : index
      %get3A_707 = tpu.vector_load %arg10[%get3A_705, %get3A_706] {strides = array<i32>} : memref<512x64xf32, #tpu.memory_space<vmem>>, vector<16xf32>,
      %mul3A_708 = arith.mulf %get3A_704, %get3A_707 : vector<16xf32>
      %add3A_709 = arith.addf %mul3A_701, %mul3A_708 : vector<16xf32>
      %get3A_710 = arith.index_cast %add3A_694 : i32 to index
      %get3A_711 = arith.constant 32 : index
      %get3A_712 = tpu.vector_load %arg9[%get3A_710, %get3A_711] {strides = array<i32>} : memref<512x64xf32, #tpu.memory_space<vmem>>, vector<16xf32>,
      %get3A_713 = arith.index_cast %add3A_694 : i32 to index
      %get3A_714 = arith.constant 32 : index
      %get3A_715 = tpu.vector_load %arg10[%get3A_713, %get3A_714] {strides = array<i32>} : memref<512x64xf32, #tpu.memory_space<vmem>>, vector<16xf32>,
      %mul3A_716 = arith.mulf %get3A_712, %get3A_715 : vector<16xf32>
      %add3A_717 = arith.addf %add3A_709, %mul3A_716 : vector<16xf32>
      %get3A_718 = arith.index_cast %add3A_694 : i32 to index
      %get3A_719 = arith.constant 48 : index
      %get3A_720 = tpu.vector_load %arg9[%get3A_718, %get3A_719] {strides = array<i32>} : memref<512x64xf32, #tpu.memory_space<vmem>>, vector<16xf32>,
      %get3A_721 = arith.index_cast %add3A_694 : i32 to index
      %get3A_722 = arith.constant 48 : index
      %get3A_723 = tpu.vector_load %arg10[%get3A_721, %get3A_722] {strides = array<i32>} : memref<512x64xf32, #tpu.memory_space<vmem>>, vector<16xf32>,
      %mul3A_724 = arith.mulf %get3A_720, %get3A_723 : vector<16xf32>
      %add3A_725 = arith.addf %add3A_717, %mul3A_724 : vector<16xf32>
      %eq3A_726 = arith.constant 12 : i32
      %eq3A_727 = vector.broadcast %eq3A_726 : i32 to vector<16xi32>
      %eq3A_728 = arith.cmpi eq, %iota3A, %eq3A_727 : vector<16xi32>
      %reduce_sum3A_729 = arith.constant true
      %reduce_sum3A_730 = vector.broadcast %reduce_sum3A_729 : i1 to vector<16xi1>
      %reduce_sum3A_731 = tpu.scan <sum>, %add3A_725 masked %reduce_sum3A_730 : vector<16xf32>, vector<16xi1> -> vector<16xf32>
      %reduce_sum3A_732 = vector.extract %reduce_sum3A_731[15] : f32 from vector<16xf32>
      %broadcast_in_dim3A_733 = vector.broadcast %reduce_sum3A_732 : f32 to vector<16xf32>
      %select_n3A_734 = arith.select %eq3A_728, %broadcast_in_dim3A_733, %select_n3A_692 : vector<16xi1>, vector<16xf32>
      %add3A_735 = arith.constant 13 : i32
      %add3A_736 = arith.addi %mul3A_191, %add3A_735 : i32
      %get3A_737 = arith.index_cast %add3A_736 : i32 to index
      %get3A_738 = arith.constant 0 : index
      %get3A_739 = tpu.vector_load %arg9[%get3A_737, %get3A_738] {strides = array<i32>} : memref<512x64xf32, #tpu.memory_space<vmem>>, vector<16xf32>,
      %get3A_740 = arith.index_cast %add3A_736 : i32 to index
      %get3A_741 = arith.constant 0 : index
      %get3A_742 = tpu.vector_load %arg10[%get3A_740, %get3A_741] {strides = array<i32>} : memref<512x64xf32, #tpu.memory_space<vmem>>, vector<16xf32>,
      %mul3A_743 = arith.mulf %get3A_739, %get3A_742 : vector<16xf32>
      %get3A_744 = arith.index_cast %add3A_736 : i32 to index
      %get3A_745 = arith.constant 16 : index
      %get3A_746 = tpu.vector_load %arg9[%get3A_744, %get3A_745] {strides = array<i32>} : memref<512x64xf32, #tpu.memory_space<vmem>>, vector<16xf32>,
      %get3A_747 = arith.index_cast %add3A_736 : i32 to index
      %get3A_748 = arith.constant 16 : index
      %get3A_749 = tpu.vector_load %arg10[%get3A_747, %get3A_748] {strides = array<i32>} : memref<512x64xf32, #tpu.memory_space<vmem>>, vector<16xf32>,
      %mul3A_750 = arith.mulf %get3A_746, %get3A_749 : vector<16xf32>
      %add3A_751 = arith.addf %mul3A_743, %mul3A_750 : vector<16xf32>
      %get3A_752 = arith.index_cast %add3A_736 : i32 to index
      %get3A_753 = arith.constant 32 : index
      %get3A_754 = tpu.vector_load %arg9[%get3A_752, %get3A_753] {strides = array<i32>} : memref<512x64xf32, #tpu.memory_space<vmem>>, vector<16xf32>,
      %get3A_755 = arith.index_cast %add3A_736 : i32 to index
      %get3A_756 = arith.constant 32 : index
      %get3A_757 = tpu.vector_load %arg10[%get3A_755, %get3A_756] {strides = array<i32>} : memref<512x64xf32, #tpu.memory_space<vmem>>, vector<16xf32>,
      %mul3A_758 = arith.mulf %get3A_754, %get3A_757 : vector<16xf32>
      %add3A_759 = arith.addf %add3A_751, %mul3A_758 : vector<16xf32>
      %get3A_760 = arith.index_cast %add3A_736 : i32 to index
      %get3A_761 = arith.constant 48 : index
      %get3A_762 = tpu.vector_load %arg9[%get3A_760, %get3A_761] {strides = array<i32>} : memref<512x64xf32, #tpu.memory_space<vmem>>, vector<16xf32>,
      %get3A_763 = arith.index_cast %add3A_736 : i32 to index
      %get3A_764 = arith.constant 48 : index
      %get3A_765 = tpu.vector_load %arg10[%get3A_763, %get3A_764] {strides = array<i32>} : memref<512x64xf32, #tpu.memory_space<vmem>>, vector<16xf32>,
      %mul3A_766 = arith.mulf %get3A_762, %get3A_765 : vector<16xf32>
      %add3A_767 = arith.addf %add3A_759, %mul3A_766 : vector<16xf32>
      %eq3A_768 = arith.constant 13 : i32
      %eq3A_769 = vector.broadcast %eq3A_768 : i32 to vector<16xi32>
      %eq3A_770 = arith.cmpi eq, %iota3A, %eq3A_769 : vector<16xi32>
      %reduce_sum3A_771 = arith.constant true
      %reduce_sum3A_772 = vector.broadcast %reduce_sum3A_771 : i1 to vector<16xi1>
      %reduce_sum3A_773 = tpu.scan <sum>, %add3A_767 masked %reduce_sum3A_772 : vector<16xf32>, vector<16xi1> -> vector<16xf32>
      %reduce_sum3A_774 = vector.extract %reduce_sum3A_773[15] : f32 from vector<16xf32>
      %broadcast_in_dim3A_775 = vector.broadcast %reduce_sum3A_774 : f32 to vector<16xf32>
      %select_n3A_776 = arith.select %eq3A_770, %broadcast_in_dim3A_775, %select_n3A_734 : vector<16xi1>, vector<16xf32>
      %add3A_777 = arith.constant 14 : i32
      %add3A_778 = arith.addi %mul3A_191, %add3A_777 : i32
      %get3A_779 = arith.index_cast %add3A_778 : i32 to index
      %get3A_780 = arith.constant 0 : index
      %get3A_781 = tpu.vector_load %arg9[%get3A_779, %get3A_780] {strides = array<i32>} : memref<512x64xf32, #tpu.memory_space<vmem>>, vector<16xf32>,
      %get3A_782 = arith.index_cast %add3A_778 : i32 to index
      %get3A_783 = arith.constant 0 : index
      %get3A_784 = tpu.vector_load %arg10[%get3A_782, %get3A_783] {strides = array<i32>} : memref<512x64xf32, #tpu.memory_space<vmem>>, vector<16xf32>,
      %mul3A_785 = arith.mulf %get3A_781, %get3A_784 : vector<16xf32>
      %get3A_786 = arith.index_cast %add3A_778 : i32 to index
      %get3A_787 = arith.constant 16 : index
      %get3A_788 = tpu.vector_load %arg9[%get3A_786, %get3A_787] {strides = array<i32>} : memref<512x64xf32, #tpu.memory_space<vmem>>, vector<16xf32>,
      %get3A_789 = arith.index_cast %add3A_778 : i32 to index
      %get3A_790 = arith.constant 16 : index
      %get3A_791 = tpu.vector_load %arg10[%get3A_789, %get3A_790] {strides = array<i32>} : memref<512x64xf32, #tpu.memory_space<vmem>>, vector<16xf32>,
      %mul3A_792 = arith.mulf %get3A_788, %get3A_791 : vector<16xf32>
      %add3A_793 = arith.addf %mul3A_785, %mul3A_792 : vector<16xf32>
      %get3A_794 = arith.index_cast %add3A_778 : i32 to index
      %get3A_795 = arith.constant 32 : index
      %get3A_796 = tpu.vector_load %arg9[%get3A_794, %get3A_795] {strides = array<i32>} : memref<512x64xf32, #tpu.memory_space<vmem>>, vector<16xf32>,
      %get3A_797 = arith.index_cast %add3A_778 : i32 to index
      %get3A_798 = arith.constant 32 : index
      %get3A_799 = tpu.vector_load %arg10[%get3A_797, %get3A_798] {strides = array<i32>} : memref<512x64xf32, #tpu.memory_space<vmem>>, vector<16xf32>,
      %mul3A_800 = arith.mulf %get3A_796, %get3A_799 : vector<16xf32>
      %add3A_801 = arith.addf %add3A_793, %mul3A_800 : vector<16xf32>
      %get3A_802 = arith.index_cast %add3A_778 : i32 to index
      %get3A_803 = arith.constant 48 : index
      %get3A_804 = tpu.vector_load %arg9[%get3A_802, %get3A_803] {strides = array<i32>} : memref<512x64xf32, #tpu.memory_space<vmem>>, vector<16xf32>,
      %get3A_805 = arith.index_cast %add3A_778 : i32 to index
      %get3A_806 = arith.constant 48 : index
      %get3A_807 = tpu.vector_load %arg10[%get3A_805, %get3A_806] {strides = array<i32>} : memref<512x64xf32, #tpu.memory_space<vmem>>, vector<16xf32>,
      %mul3A_808 = arith.mulf %get3A_804, %get3A_807 : vector<16xf32>
      %add3A_809 = arith.addf %add3A_801, %mul3A_808 : vector<16xf32>
      %eq3A_810 = arith.constant 14 : i32
      %eq3A_811 = vector.broadcast %eq3A_810 : i32 to vector<16xi32>
      %eq3A_812 = arith.cmpi eq, %iota3A, %eq3A_811 : vector<16xi32>
      %reduce_sum3A_813 = arith.constant true
      %reduce_sum3A_814 = vector.broadcast %reduce_sum3A_813 : i1 to vector<16xi1>
      %reduce_sum3A_815 = tpu.scan <sum>, %add3A_809 masked %reduce_sum3A_814 : vector<16xf32>, vector<16xi1> -> vector<16xf32>
      %reduce_sum3A_816 = vector.extract %reduce_sum3A_815[15] : f32 from vector<16xf32>
      %broadcast_in_dim3A_817 = vector.broadcast %reduce_sum3A_816 : f32 to vector<16xf32>
      %select_n3A_818 = arith.select %eq3A_812, %broadcast_in_dim3A_817, %select_n3A_776 : vector<16xi1>, vector<16xf32>
      %add3A_819 = arith.constant 15 : i32
      %add3A_820 = arith.addi %mul3A_191, %add3A_819 : i32
      %get3A_821 = arith.index_cast %add3A_820 : i32 to index
      %get3A_822 = arith.constant 0 : index
      %get3A_823 = tpu.vector_load %arg9[%get3A_821, %get3A_822] {strides = array<i32>} : memref<512x64xf32, #tpu.memory_space<vmem>>, vector<16xf32>,
      %get3A_824 = arith.index_cast %add3A_820 : i32 to index
      %get3A_825 = arith.constant 0 : index
      %get3A_826 = tpu.vector_load %arg10[%get3A_824, %get3A_825] {strides = array<i32>} : memref<512x64xf32, #tpu.memory_space<vmem>>, vector<16xf32>,
      %mul3A_827 = arith.mulf %get3A_823, %get3A_826 : vector<16xf32>
      %get3A_828 = arith.index_cast %add3A_820 : i32 to index
      %get3A_829 = arith.constant 16 : index
      %get3A_830 = tpu.vector_load %arg9[%get3A_828, %get3A_829] {strides = array<i32>} : memref<512x64xf32, #tpu.memory_space<vmem>>, vector<16xf32>,
      %get3A_831 = arith.index_cast %add3A_820 : i32 to index
      %get3A_832 = arith.constant 16 : index
      %get3A_833 = tpu.vector_load %arg10[%get3A_831, %get3A_832] {strides = array<i32>} : memref<512x64xf32, #tpu.memory_space<vmem>>, vector<16xf32>,
      %mul3A_834 = arith.mulf %get3A_830, %get3A_833 : vector<16xf32>
      %add3A_835 = arith.addf %mul3A_827, %mul3A_834 : vector<16xf32>
      %get3A_836 = arith.index_cast %add3A_820 : i32 to index
      %get3A_837 = arith.constant 32 : index
      %get3A_838 = tpu.vector_load %arg9[%get3A_836, %get3A_837] {strides = array<i32>} : memref<512x64xf32, #tpu.memory_space<vmem>>, vector<16xf32>,
      %get3A_839 = arith.index_cast %add3A_820 : i32 to index
      %get3A_840 = arith.constant 32 : index
      %get3A_841 = tpu.vector_load %arg10[%get3A_839, %get3A_840] {strides = array<i32>} : memref<512x64xf32, #tpu.memory_space<vmem>>, vector<16xf32>,
      %mul3A_842 = arith.mulf %get3A_838, %get3A_841 : vector<16xf32>
      %add3A_843 = arith.addf %add3A_835, %mul3A_842 : vector<16xf32>
      %get3A_844 = arith.index_cast %add3A_820 : i32 to index
      %get3A_845 = arith.constant 48 : index
      %get3A_846 = tpu.vector_load %arg9[%get3A_844, %get3A_845] {strides = array<i32>} : memref<512x64xf32, #tpu.memory_space<vmem>>, vector<16xf32>,
      %get3A_847 = arith.index_cast %add3A_820 : i32 to index
      %get3A_848 = arith.constant 48 : index
      %get3A_849 = tpu.vector_load %arg10[%get3A_847, %get3A_848] {strides = array<i32>} : memref<512x64xf32, #tpu.memory_space<vmem>>, vector<16xf32>,
      %mul3A_850 = arith.mulf %get3A_846, %get3A_849 : vector<16xf32>
      %add3A_851 = arith.addf %add3A_843, %mul3A_850 : vector<16xf32>
      %eq3A_852 = arith.constant 15 : i32
      %eq3A_853 = vector.broadcast %eq3A_852 : i32 to vector<16xi32>
      %eq3A_854 = arith.cmpi eq, %iota3A, %eq3A_853 : vector<16xi32>
      %reduce_sum3A_855 = arith.constant true
      %reduce_sum3A_856 = vector.broadcast %reduce_sum3A_855 : i1 to vector<16xi1>
      %reduce_sum3A_857 = tpu.scan <sum>, %add3A_851 masked %reduce_sum3A_856 : vector<16xf32>, vector<16xi1> -> vector<16xf32>
      %reduce_sum3A_858 = vector.extract %reduce_sum3A_857[15] : f32 from vector<16xf32>
      %broadcast_in_dim3A_859 = vector.broadcast %reduce_sum3A_858 : f32 to vector<16xf32>
      %select_n3A_860 = arith.select %eq3A_854, %broadcast_in_dim3A_859, %select_n3A_818 : vector<16xi1>, vector<16xf32>
      %multiple_of3A = tpu.assume_multiple %mul3A_191, 16 : i32
      %swap3A = arith.index_cast %multiple_of3A : i32 to index
      %swap3A_861 = tpu.vector_load %arg11[%swap3A] {strides = array<i32>} : memref<512xf32, #tpu.memory_space<vmem>>, vector<16xf32>,
      tpu.vector_store %arg11[%swap3A], %select_n3A_860 {strides = array<i32>} : memref<512xf32, #tpu.memory_space<vmem>>, vector<16xf32>,
    }
    %scan3A_188 = arith.constant 32 : i32
    "tpu.region"() ({
      %run_scoped3A_189 = tpu.sem_alloc : memref<!tpu.dma_semaphore, #tpu.memory_space<semaphore_mem>>
      %dma_start3A_190 = tpu.memref_slice %arg6[%mul3A_2] : memref<16384xf32, #tpu.memory_space<hbm>> -> memref<512xf32, #tpu.memory_space<hbm>>
      %dma_start3A_191 = tpu.memref_slice %arg6[%mul3A_2] : memref<16384xf32, #tpu.memory_space<hbm>> -> memref<512xf32, #tpu.memory_space<hbm>>
      tpu.enqueue_dma source(%arg11 : memref<512xf32, #tpu.memory_space<vmem>>) target(%dma_start3A_191 : memref<512xf32, #tpu.memory_space<hbm>>) target_semaphore(%run_scoped3A_189 : memref<!tpu.dma_semaphore, #tpu.memory_space<semaphore_mem>>)
      %dma_wait3A_192 = tpu.memref_slice %arg6[%mul3A_2] : memref<16384xf32, #tpu.memory_space<hbm>> -> memref<512xf32, #tpu.memory_space<hbm>>
      %dma_wait3A_193 = tpu.memref_slice %arg6[%mul3A_2] : memref<16384xf32, #tpu.memory_space<hbm>> -> memref<512xf32, #tpu.memory_space<hbm>>
      tpu.wait_dma2 semaphore(%run_scoped3A_189 : memref<!tpu.dma_semaphore, #tpu.memory_space<semaphore_mem>>) src(%arg11 : memref<512xf32, #tpu.memory_space<vmem>>) dst(%dma_wait3A_193 : memref<512xf32, #tpu.memory_space<hbm>>)
      tpu.yield
    }) : () -> ()
    return
  }
}

</mosaic_0001>

<sc_bundles>
// kernel: kernel.3.cloned.1.call-start
scs
__scs_entry_jumppad:
0x0: {  	(pc) =	sbr.rel $0x88, $3  }
0x1: {  	(tag) =	ssettag $0x0;
	lr =	simm.s32 $0x1  }
0x2: {  	[smem:$0x3F9D] =	sst lr;
	_ =	strace $0xD0000000  }
0x3: {  	_ = 	snop  }
0x4: {  	_ = 	snop  }
0x5: {  	_ = 	snop  }
0x6: {  	_ = 	snop  }
0x7: {  	_ = 	snop  }
__scs_overlays_trampoline_lowered:
0x8: {  	[smem:$0x3FAC] =	sst s0  }
0x9: {  	[smem:$0x3FAD] =	sst s1  }
0xa: {  	[smem:$0x3FAE] =	sst s2  }
0xb: {  	[smem:$0x3FAF] =	sst s3  }
0xc: {  	[smem:$0x3FB0] =	sst s4  }
0xd: {  	[smem:$0x3FB1] =	sst s5  }
0xe: {  	[smem:$0x3FB2] =	sst s6  }
0xf: {  	[smem:$0x3FB3] =	sst s7  }
0x10: {  	[smem:$0x3FB4] =	sst s8  }
0x11: {  	[smem:$0x3FB5] =	sst s9;
	s0 =	simm.s32 @!p0 $0x0  }
0x12: {  	s1 =	sld [smem:$0x3F9B];
	s0 =	simm.s32 @p0 $0x1  }
0x13: {  	[smem:$0x3FB6] =	sst s0;
	s0 =	simm.s32 @!p1 $0x0  }
0x14: {  	s2 =	sld [smem:$0x3F9A];
	s0 =	simm.s32 @p1 $0x1  }
0x15: {  	[smem:$0x3FB7] =	sst s0;
	s0 =	simm.s32 @!p2 $0x0  }
0x16: {  	s3 =	sld [smem:$0x3FDB];
	s0 =	simm.s32 @p2 $0x1  }
0x17: {  	s4 =	simm.s32 $0x1BF5;
	[smem:$0x3FB9] =	sst s0  }
0x18: {  	s0 =	sld [smem:$0x3F9C];
	_ =	swait.ge [sflag:s4], $0x0  }
0x19: {  	s7 =	sld [smem:$0x3F9D]  }
0x1a: {  	s8 =	sadd.s32 $0xFFFFE003, lr  }
0x1b: {  	s9 =	sadd.s32 $0xFFFFFEF7, lr;
	s5 =	simm.s32 $0xFFFFFFFF;
	p2 =	slt.u32 s8, $0xFFFFF086  }
0x1c: {  	p1 =	slt.u32 s9, $0xF7A;
	s5 =	simm.s32 @!p2 $0x0  }
0x1d: {  	s5 =	simm.s32 @p1 $0x1;
	p0 =	seq.s32 s7, s2  }
0x1e: {  	s7 =	smul.u32 @!p0 $0xF7A, s2;
	p2 =	seq.s32 @!p0 s5, $0x0  }
0x1f: {  	s9 =	smul.u32 $0xF7A, s1;
	s8 =	simm.s32 @!p0 $0x1BF5;
	p2 =	por !p2, p0  }
0x20: {  	[sflag:s8] =	ssyncset.s32 @!p0 $0xFFFFF086;
	s6 =	sadd.s32 @!p0 s3, s7;
	s7 =	simm.s32 @!p0 $0x108  }
0x21: {  	s3 =	sadd.s32 s3, s9;
	s6 =	sadd.s32 @!p0 $0x88, s6;
	s7 =	simm.s32 @p2 $0x1082  }
0x22: {  	[simem:s7], [sflag:s8] =	dma.local @!p0 [hbm:s6], $0xF7A  }
0x23: {  	s9 =	sor.u32 $0xD0000000, s2;
	s6 =	simm.s32 $0x108;
	_ =	swait.ge @!p0 [sflag:s8], $0x0  }
0x24: {  	s3 =	sadd.s32 $0x88, s3;
	s6 =	simm.s32 @!p1 $0x1082;
	[sflag:s4] =	ssyncset.s32 $0xFFFFF086  }
0x25: {  	[simem:s6], [sflag:s4] =	dma.local [hbm:s3], $0xF7A  }
0x26: {  	[smem:$0x3F9D] =	sst s1;
	(tag) =	ssettag s2;
	_ =	strace s9  }
0x27: {  	s1 =	sld [smem:$0x3FAD]  }
0x28: {  	s2 =	sld [smem:$0x3FAE]  }
0x29: {  	s4 =	sld [smem:$0x3FB0]  }
0x2a: {  	p0 =	seq.s32 s5, $0x0;
	s5 =	sld [smem:$0x3FB1]  }
0x2b: {  	s6 =	sld [smem:$0x3FB2]  }
0x2c: {  	s7 =	sld [smem:$0x3FB3]  }
0x2d: {  	s3 =	simm.s32 $0x108;
	s8 =	sld [smem:$0x3FB4]  }
0x2e: {  	s3 =	simm.s32 @!p0 $0x1082;
	s9 =	sld [smem:$0x3FB5]  }
0x2f: {  	lr =	sadd.s32 s0, s3;
	s0 =	sld [smem:$0x3FAC]  }
0x30: {  	s3 =	sld [smem:$0x3FAF]  }
0x31: {  	[smem:$0x3FB8] =	sst s10  }
0x32: {  	s10 =	sld [smem:$0x3FB6];
	_ =	sdelay $0x3  }
0x33: {  	p0 =	seq.s32 s10, $0x1;
	s10 =	sld [smem:$0x3FB8];
	_ =	sdelay $0x3  }
0x34: {  	[smem:$0x3FB8] =	sst s10  }
0x35: {  	s10 =	sld [smem:$0x3FB7];
	_ =	sdelay $0x3  }
0x36: {  	p1 =	seq.s32 s10, $0x1;
	s10 =	sld [smem:$0x3FB8];
	_ =	sdelay $0x3  }
0x37: {  	[smem:$0x3FB8] =	sst s10  }
0x38: {  	s10 =	sld [smem:$0x3FB9]  }
0x39: {  	_ = 	snop;
	(pc) =	sbr.ind lr, $3  }
0x3a: {  	_ = 	snop  }
0x3b: {  	_ = 	snop  }
0x3c: {  	p2 =	seq.s32 s10, $0x1;
	s10 =	sld [smem:$0x3FB8]  }
0x3d: {  	_ =	shalt  }
0x3e: {  	_ =	shalt  }
0x3f: {  	_ =	shalt  }
0x40: {  	_ =	shalt  }
0x41: {  	_ =	shalt  }
0x42: {  	_ =	shalt  }
0x43: {  	_ =	shalt  }
0x44: {  	_ =	shalt  }
0x45: {  	_ =	shalt  }
0x46: {  	_ =	shalt  }
0x47: {  	_ =	shalt  }
0x48: {  	_ =	shalt  }
0x49: {  	_ =	shalt  }
0x4a: {  	_ =	shalt  }
0x4b: {  	_ =	shalt  }
0x4c: {  	_ =	shalt  }
0x4d: {  	_ =	shalt  }
0x4e: {  	_ =	shalt  }
0x4f: {  	_ =	shalt  }
0x50: {  	_ =	shalt  }
0x51: {  	_ =	shalt  }
0x52: {  	_ =	shalt  }
0x53: {  	_ =	shalt  }
0x54: {  	_ =	shalt  }
0x55: {  	_ =	shalt  }
0x56: {  	_ =	shalt  }
0x57: {  	_ =	shalt  }
0x58: {  	_ =	shalt  }
0x59: {  	_ =	shalt  }
0x5a: {  	_ =	shalt  }
0x5b: {  	_ =	shalt  }
0x5c: {  	_ =	shalt  }
0x5d: {  	_ =	shalt  }
0x5e: {  	_ =	shalt  }
0x5f: {  	_ =	shalt  }
0x60: {  	_ =	shalt  }
0x61: {  	_ =	shalt  }
0x62: {  	_ =	shalt  }
0x63: {  	_ =	shalt  }
0x64: {  	_ =	shalt  }
0x65: {  	_ =	shalt  }
0x66: {  	_ =	shalt  }
0x67: {  	_ =	shalt  }
0x68: {  	_ =	shalt  }
0x69: {  	_ =	shalt  }
0x6a: {  	_ =	shalt  }
0x6b: {  	_ =	shalt  }
0x6c: {  	_ =	shalt  }
0x6d: {  	_ =	shalt  }
0x6e: {  	_ =	shalt  }
0x6f: {  	_ =	shalt  }
0x70: {  	_ =	shalt  }
0x71: {  	_ =	shalt  }
0x72: {  	_ =	shalt  }
0x73: {  	_ =	shalt  }
0x74: {  	_ =	shalt  }
0x75: {  	_ =	shalt  }
0x76: {  	_ =	shalt  }
0x77: {  	_ =	shalt  }
0x78: {  	_ =	shalt  }
0x79: {  	_ =	shalt  }
0x7a: {  	_ =	shalt  }
0x7b: {  	_ =	shalt  }
0x7c: {  	_ =	shalt  }
0x7d: {  	_ =	shalt  }
0x7e: {  	_ =	shalt  }
0x7f: {  	_ =	shalt  }
0x80: {  	_ =	shalt  }
0x81: {  	_ =	shalt  }
0x82: {  	_ =	shalt  }
0x83: {  	_ =	shalt  }
0x84: {  	_ =	shalt  }
0x85: {  	_ =	shalt  }
0x86: {  	_ =	shalt  }
0x87: {  	_ =	shalt  }
.Lfunc_end0:
.L_simem_size_0:
called_computation_lowered:
.L_overlay_start_0:
0x88: {  	s2 =	sld [smem:$0x3FD9]  }
0x89: {  	s3 =	sld [smem:$0x3FFE];
	_ =	sdelay $0x1  }
0x8a: {  	s1 =	srdreg.scid  }
0x8b: {  	s0 =	sand.u32 $0x1, s1  }
0x8c: {  	s17 =	sshll.u32 s0, $0xA;
	s2 =	sadd.s32 s3, s2  }
0x8d: {  	s2 =	sadd.s32 s2, s17  }
0x8e: {  	[smem:$0x3FC4] =	sst s2  }
0x8f: {  	_ = 	snop  }
0x90: {  	s2 =	sld [smem:$0x3FC9]  }
0x91: {  	s18 =	sld [smem:$0x3FC8]  }
0x92: {  	s4 =	sld [smem:$0x3FD0];
	(tm) =	ssettm $0x1  }
0x93: {  	s5 =	sld [smem:$0x3FFB];
	_ =	sdelay $0x3  }
0x94: {  	_ =	strace s5  }
0x95: {  	s5 =	sld [smem:$0x3FFC];
	_ =	sdelay $0x3  }
0x96: {  	_ =	strace s5  }
0x97: {  	s5 =	sld [smem:$0x3FFD];
	_ =	sdelay $0x3  }
0x98: {  	_ =	strace s5  }
0x99: {  	_ =	strace $0x8FFFFFFF  }
0x9a: {  	s19 =	sld [smem:$0x3FDB];
	_ =	sdelay $0x1  }
0x9b: {  	s6 =	simm.s32 $_scs_section_size  }
0x9c: {  	s7 =	simm.s32 $_size__tile_overlayer_lowered;
	s8 =	simm.s32 $_tile_overlayer_lowered  }
0x9d: {  	s22 =	simm.s32 $0x1BFF;
	s21 =	sshll.u32 s8, $0x1;
	s5 =	sadd.s32 s6, s19  }
0x9e: {  	s9 =	simm.s32 $0x0;
	s20 =	sshll.u32 s7, $0x1;
	s7 =	sadd.s32 s21, s5  }
0x9f: {  	[timem:s9], [sflag:s22] =	dma.local [hbm:s7], s20  }
0xa0: {  	_ =	swait.ge [sflag:s22], s20  }
0xa1: {  	s6 =	ssub.s32 $0x0, s20;
	[sflag:s22] =	ssyncset.done $0x0  }
0xa2: {  	[sflag:s22] =	ssyncadd.s32 s6;
	_ =	sdelay $0x1  }
0xa3: {  	s23 =	simm.s32 $0x1B8B  }
0xa4: {  	_ =	swait.ge [sflag:s23], $0x1  }
0xa5: {  	[sflag:s23] =	ssyncset.done $0x0  }
0xa6: {  	s25 =	simm.s32 $0x1B8E;
	s24 =	sld [smem:$0x3FFE];
	[sflag:s23] =	ssyncadd.s32 $0xFFFFFFFF  }
0xa7: {  	s26 =	simm.s32 $execute0_lowered;
	[smem:$0x3FD2] =	sst s25  }
0xa8: {  	s7 =	sshll.u32 s26, $0x1;
	_ =	strace $0x80000046;
	[dreg:$0x1] =	wrdreg $0xFFFFFFFF  }
0xa9: {  	s28 =	simm.s32 $_size_execute0_lowered;
	s5 =	sadd.s32 s5, s7;
	[dreg:$0x0] =	wrdreg $0x0  }
0xaa: {  	s7 =	sshll.u32 s28, $0x1;
	[dreg:$0x2] =	wrdreg s5  }
0xab: {  	[dreg:$0x3] =	wrdreg s7  }
0xac: {  	[dreg:$0x4] =	wrdreg $0xC0  }
0xad: {  	_ =	task [dreg:s9], $0x5FFFF  }
0xae: {  	[dreg:$0x1] =	wrdreg $0xFFFFFFFF  }
0xaf: {  	[dreg:$0x0] =	wrdreg $0x60  }
0xb0: {  	[dreg:$0x2] =	wrdreg s2  }
0xb1: {  	[dreg:$0x3] =	wrdreg s18  }
0xb2: {  	[dreg:$0x4] =	wrdreg s24  }
0xb3: {  	[dreg:$0x5] =	wrdreg s4  }
0xb4: {  	[dreg:$0x6] =	wrdreg $0x9  }
0xb5: {  	_ =	task.clear_ibuf [dreg:s9], $0x7FFFF;
	_ =	strace $0x90000046  }
0xb6: {  	s29 =	simm.s32 $0x9;
	_ =	strace $0x80000048  }
0xb7: {  	_ =	swait.ge [sflag:s29], $0x1  }
0xb8: {  	[sflag:s29] =	ssyncadd.s32 $0xFFFFFFFF  }
0xb9: {  	_ =	strace $0x90000048  }
0xba: {  	_ =	sfence  }
0xbb: {  	s30 =	sld [smem:$0x0];
	_ =	sdelay $0x2  }
0xbc: {  	s31 =	sshll.u32 s1, $0xD;
	s1 =	sshrl.u32 s1, $0x2  }
0xbd: {  	s3 =	sand.u32 $0x4000, s31;
	s1 =	sadd.s32 s1, s30  }
0xbe: {  	s0 =	sor.u32 s3, s0;
	s1 =	sshll.u32 s1, $0x11  }
0xbf: {  	s0 =	sor.u32 s1, s0  }
0xc0: {  	s0 =	sadd.s32 $0x8F2B, s0  }
0xc1: {  	[sflag:s0] =	ssyncadd.remote.s32 $0x1  }
0xc2: {  	_ =	sfence.sel $0xFFFF  }
0xc3: {  	[dreg:$0x0] =	wrdreg $0xFFFFFFFF;
	(pc) =	sbr.abs _section_cstart, $3  }
0xc4: {  	[dreg:$0x1] =	wrdreg $0xFFFFFFFF  }
0xc5: {  	_ =	task.clear_ibuf [dreg:s9], $0x2FFFF;
	_ =	strace $0x9FFFFFFF  }
0xc6: {  	(tm) =	ssettm $0x7FFFFFFF  }
0xc7: {  	_ =	shalt  }
tec
execute0_lowered:
.L_overlay_start_1:
0x0: {  	(tag) =	ssettag $0x1  }
0x1: {  	s0 =	rddreg [dreg:$0x0]  }
0x2: {  	s2 =	rddreg [dreg:$0x1]  }
0x3: {  	s4 =	rddreg [dreg:$0x2]  }
0x4: {  	s13 =	rddreg [dreg:$0x3]  }
0x5: {  	s1 =	simm.s32 $0x0;
	s5 =	srdreg.scid;
	s7 =	stileid.u32  }
0x6: {  	s16 =	simm.s32 $0x200;
	s17 =	simm.s32 $0x80;
	s18 =	simm.s32 $0x280  }
0x7: {  	s19 =	simm.s32 $0x100;
	s20 =	simm.s32 $0x300;
	s21 =	simm.s32 $0x180  }
0x8: {  	s22 =	simm.s32 $0x380;
	s28 =	simm.s32 $0x4400;
	s29 =	simm.s32 $0xC400  }
0x9: {  	s30 =	simm.s32 $0x6400;
	s31 =	simm.s32 $0xE400;
	s23 =	simm.s32 $0x0  }
0xa: {  	[smem:$0x7FF] =	sst s1;
	s3 =	sadd.s32 $0xF42800, s4;
	s5 =	sand.u32 $0x1, s5  }
0xb: {  	s7 =	sshll.u32 s7, $0x7;
	s6 =	ssub.s32 $0x2, s5;
	s5 =	sshll.u32 s5, $0x6  }
0xc: {  	s4 =	sadd.s32 $0x16E3A00, s4;
	s8 =	sshrl.u32 s6, $0x1;
	s14 =	sor.u32 s5, s7  }
0xd: {  	_ =	strace $0x80000047;
	s15 =	ssub.s32 s6, s8;
	s5 =	sadd.s32 s0, s14  }
0xe: {  	vm0 =	vmmov $0x1;
	vm1 =	vmmov $0x3;
	vm2 =	vmmov $0x7;
	s26 =	sor.u32 $0x10, s14;
	s6 =	sadd.s32 s2, s14;
	s10 =	sor.u32 $0x20, s14  }
0xf: {  	vm3 =	vmmov $0xf;
	vm4 =	vmmov $0x1f;
	vm5 =	vmmov $0x3f;
	s12 =	sor.u32 $0x30, s14;
	s13 =	sadd.s32 s13, s14;
	s7 =	sadd.s32 s0, s26  }
0x10: {  	vm6 =	vmmov $0x7f;
	vm7 =	vmmov $0xff;
	vm8 =	vmmov $0x1ff;
	s8 =	sadd.s32 s2, s26;
	s9 =	sadd.s32 s0, s10;
	s10 =	sadd.s32 s2, s10  }
0x11: {  	vm9 =	vmmov $0x3ff;
	vm10 =	vmmov $0x7ff;
	vm11 =	vmmov $0xfff;
	s11 =	sadd.s32 s0, s12;
	s12 =	sadd.s32 s2, s12;
	s14 =	smax.u32 s15, $0x1  }
0x12: {  	vm12 =	vmmov $0x1fff;
	vm13 =	vmmov $0x3fff;
	vm14 =	vmmov $0x7fff;
	s15 =	simm.s32 $0x2;
	s0 =	simm.s32 $0x1;
	s2 =	simm.s32 $0x10400  }
.LBB2_1:
0x13: {  	[tilespmem:s1], [sflag:$0x2] =	stream.linear.gather [hbm4b:s5+s1], $0x80, $0x38;
	[tilespmem:$0x10600] =	vst v63  }
0x14: {  	_ =	swait.ge [sflag:s15], $0x80  }
0x15: {  	[sflag:s15] =	ssyncset.done $0x0  }
0x16: {  	[sflag:s15] =	ssyncadd.s32 $0xFFFFFF80  }
0x17: {  	[tilespmem:s16], [sflag:$0x2] =	stream.linear.gather [hbm4b:s6+s1], $0x80, $0x38;
	[tilespmem:$0x10600] =	vst v63  }
0x18: {  	_ =	swait.ge [sflag:s15], $0x80  }
0x19: {  	[sflag:s15] =	ssyncset.done $0x0  }
0x1a: {  	[sflag:s15] =	ssyncadd.s32 $0xFFFFFF80  }
0x1b: {  	[tilespmem:s17], [sflag:$0x2] =	stream.linear.gather [hbm4b:s7+s1], $0x80, $0x38;
	[tilespmem:$0x10600] =	vst v63  }
0x1c: {  	_ =	swait.ge [sflag:s15], $0x80  }
0x1d: {  	[sflag:s15] =	ssyncset.done $0x0  }
0x1e: {  	[sflag:s15] =	ssyncadd.s32 $0xFFFFFF80  }
0x1f: {  	[tilespmem:s18], [sflag:$0x2] =	stream.linear.gather [hbm4b:s8+s1], $0x80, $0x38;
	[tilespmem:$0x10600] =	vst v63  }
0x20: {  	_ =	swait.ge [sflag:s15], $0x80  }
0x21: {  	[sflag:s15] =	ssyncset.done $0x0  }
0x22: {  	[sflag:s15] =	ssyncadd.s32 $0xFFFFFF80  }
0x23: {  	[tilespmem:s19], [sflag:$0x2] =	stream.linear.gather [hbm4b:s9+s1], $0x80, $0x38;
	[tilespmem:$0x10600] =	vst v63  }
0x24: {  	_ =	swait.ge [sflag:s15], $0x80  }
0x25: {  	[sflag:s15] =	ssyncset.done $0x0  }
0x26: {  	[sflag:s15] =	ssyncadd.s32 $0xFFFFFF80  }
0x27: {  	[tilespmem:s20], [sflag:$0x2] =	stream.linear.gather [hbm4b:s10+s1], $0x80, $0x38;
	[tilespmem:$0x10600] =	vst v63  }
0x28: {  	_ =	swait.ge [sflag:s15], $0x80  }
0x29: {  	[sflag:s15] =	ssyncset.done $0x0  }
0x2a: {  	[sflag:s15] =	ssyncadd.s32 $0xFFFFFF80  }
0x2b: {  	[tilespmem:s21], [sflag:$0x2] =	stream.linear.gather [hbm4b:s11+s1], $0x80, $0x38;
	[tilespmem:$0x10600] =	vst v63  }
0x2c: {  	_ =	swait.ge [sflag:s15], $0x80  }
0x2d: {  	[sflag:s15] =	ssyncset.done $0x0  }
0x2e: {  	[sflag:s15] =	ssyncadd.s32 $0xFFFFFF80  }
0x2f: {  	[tilespmem:s22], [sflag:$0x2] =	stream.linear.gather [hbm4b:s12+s1], $0x80, $0x38;
	[tilespmem:$0x10600] =	vst v63  }
0x30: {  	_ =	swait.ge [sflag:s15], $0x80  }
0x31: {  	[sflag:s15] =	ssyncset.done $0x0  }
0x32: {  	s24 =	simm.s32 $0x400;
	[sflag:s15] =	ssyncadd.s32 $0xFFFFFF80  }
0x33: {  	[tilespmem:s24], [sflag:$0x1] =	stream.indirect.gather [hbm4b:s3+s17], $0x40, s1, s17, $0xb8;
	[tilespmem:$0x10600] =	vst v63  }
0x34: {  	s25 =	simm.s32 $0x8400  }
0x35: {  	[tilespmem:s25], [sflag:$0x1] =	stream.indirect.gather [hbm4b:s4+s17], $0x40, s16, s17, $0xb8;
	[tilespmem:$0x10600] =	vst v63  }
0x36: {  	s26 =	simm.s32 $0x2400  }
0x37: {  	[tilespmem:s26], [sflag:$0x1] =	stream.indirect.gather [hbm4b:s3+s17], $0x40, s17, s17, $0xb8;
	[tilespmem:$0x10600] =	vst v63  }
0x38: {  	s25 =	simm.s32 $0xA400  }
0x39: {  	[tilespmem:s25], [sflag:$0x1] =	stream.indirect.gather [hbm4b:s4+s17], $0x40, s18, s17, $0xb8;
	[tilespmem:$0x10600] =	vst v63  }
0x3a: {  	_ = 	snop  }
0x3b: {  	[tilespmem:s28], [sflag:$0x1] =	stream.indirect.gather [hbm4b:s3+s17], $0x40, s19, s17, $0xb8;
	[tilespmem:$0x10600] =	vst v63  }
0x3c: {  	_ = 	snop  }
0x3d: {  	[tilespmem:s29], [sflag:$0x1] =	stream.indirect.gather [hbm4b:s4+s17], $0x40, s20, s17, $0xb8;
	[tilespmem:$0x10600] =	vst v63  }
0x3e: {  	_ = 	snop  }
0x3f: {  	[tilespmem:s30], [sflag:$0x1] =	stream.indirect.gather [hbm4b:s3+s17], $0x40, s21, s17, $0xb8;
	[tilespmem:$0x10600] =	vst v63  }
0x40: {  	_ = 	snop  }
0x41: {  	[tilespmem:s31], [sflag:$0x1] =	stream.indirect.gather [hbm4b:s4+s17], $0x40, s22, s17, $0xb8;
	[tilespmem:$0x10600] =	vst v63  }
0x42: {  	_ =	swait.ge [sflag:s0], $0x2000  }
0x43: {  	[sflag:s0] =	ssyncset.done $0x0  }
0x44: {  	[sflag:s0] =	ssyncadd.s32 $0xFFFFE000  }
0x45: {  	_ =	swait.ge [sflag:s0], $0x2000  }
0x46: {  	[sflag:s0] =	ssyncset.done $0x0  }
0x47: {  	[sflag:s0] =	ssyncadd.s32 $0xFFFFE000  }
0x48: {  	_ =	swait.ge [sflag:s0], $0x2000  }
0x49: {  	[sflag:s0] =	ssyncset.done $0x0  }
0x4a: {  	[sflag:s0] =	ssyncadd.s32 $0xFFFFE000  }
0x4b: {  	_ =	swait.ge [sflag:s0], $0x2000  }
0x4c: {  	[sflag:s0] =	ssyncset.done $0x0  }
0x4d: {  	[sflag:s0] =	ssyncadd.s32 $0xFFFFE000  }
0x4e: {  	_ =	swait.ge [sflag:s0], $0x2000  }
0x4f: {  	[sflag:s0] =	ssyncset.done $0x0  }
0x50: {  	[sflag:s0] =	ssyncadd.s32 $0xFFFFE000  }
0x51: {  	_ =	swait.ge [sflag:s0], $0x2000  }
0x52: {  	[sflag:s0] =	ssyncset.done $0x0  }
0x53: {  	[sflag:s0] =	ssyncadd.s32 $0xFFFFE000  }
0x54: {  	_ =	swait.ge [sflag:s0], $0x2000  }
0x55: {  	[sflag:s0] =	ssyncset.done $0x0  }
0x56: {  	[sflag:s0] =	ssyncadd.s32 $0xFFFFE000  }
0x57: {  	_ =	swait.ge [sflag:s0], $0x2000  }
0x58: {  	[sflag:s0] =	ssyncset.done $0x0  }
0x59: {  	s26 =	simm.s32 $0x0;
	[sflag:s0] =	ssyncadd.s32 $0xFFFFE000  }
0x5a: {  	v20 =	vld [tilespmem:s26+$0x7B0]  }
0x5b: {  	v21 =	vld [tilespmem:s26+$0x87B0]  }
0x5c: {  	v0 =	vld [tilespmem:s26+$0x7C0]  }
0x5d: {  	v51 =	vld [tilespmem:s26+$0x87C0]  }
0x5e: {  	v52 =	vld [tilespmem:s26+$0x7D0]  }
0x5f: {  	v53 =	vld [tilespmem:s26+$0x87D0]  }
0x60: {  	v22 =	vld [tilespmem:s26+$0x7A0]  }
0x61: {  	v23 =	vld [tilespmem:s26+$0x87A0]  }
0x62: {  	v24 =	vld [tilespmem:s26+$0x730]  }
0x63: {  	v25 =	vld [tilespmem:s26+$0x8730]  }
0x64: {  	v54 =	vld [tilespmem:s26+$0x760]  }
0x65: {  	v26 =	vld [tilespmem:s26+$0x780]  }
0x66: {  	v27 =	vld [tilespmem:s26+$0x8780]  }
0x67: {  	v28 =	vld [tilespmem:s26+$0x790]  }
0x68: {  	v29 =	vld [tilespmem:s26+$0x8790]  }
0x69: {  	v55 =	vld [tilespmem:s26+$0x6F0]  }
0x6a: {  	v56 =	vld [tilespmem:s26+$0x86F0]  }
0x6b: {  	v32 =	vld [tilespmem:s26+$0x720]  }
0x6c: {  	v33 =	vld [tilespmem:s26+$0x8720]  }
0x6d: {  	v57 =	vld [tilespmem:s26+$0x740]  }
0x6e: {  	v58 =	vld [tilespmem:s26+$0x8740]  }
0x6f: {  	v59 =	vld [tilespmem:s26+$0x750]  }
0x70: {  	v60 =	vld [tilespmem:s26+$0x8750]  }
0x71: {  	v34 =	vld [tilespmem:s26+$0x6E0]  }
0x72: {  	v35 =	vld [tilespmem:s26+$0x86E0]  }
0x73: {  	v36 =	vld [tilespmem:s26+$0x700]  }
0x74: {  	v37 =	vld [tilespmem:s26+$0x8700]  }
0x75: {  	v38 =	vld [tilespmem:s26+$0x710]  }
0x76: {  	v39 =	vld [tilespmem:s26+$0x8710]  }
0x77: {  	v40 =	vld [tilespmem:s26+$0x670]  }
0x78: {  	v41 =	vld [tilespmem:s26+$0x8670]  }
0x79: {  	v61 =	vld [tilespmem:s26+$0x6A0]  }
0x7a: {  	v42 =	vld [tilespmem:s26+$0x6C0]  }
0x7b: {  	v43 =	vld [tilespmem:s26+$0x86C0]  }
0x7c: {  	v44 =	vld [tilespmem:s26+$0x6D0]  }
0x7d: {  	v45 =	vld [tilespmem:s26+$0x86D0]  }
0x7e: {  	v46 =	vld [tilespmem:s26+$0x630]  }
0x7f: {  	v47 =	vld [tilespmem:s26+$0x8630]  }
0x80: {  	v48 =	vld [tilespmem:s26+$0x660]  }
0x81: {  	v49 =	vld [tilespmem:s26+$0x8660]  }
0x82: {  	v62 =	vld [tilespmem:s26+$0x680]  }
0x83: {  	v63 =	vld [tilespmem:s26+$0x8680]  }
0x84: {  	v4 =	vld [tilespmem:s26+$0x690]  }
0x85: {  	v5 =	vld [tilespmem:s26+$0x8690]  }
0x86: {  	v50 =	vld [tilespmem:s26+$0x620]  }
0x87: {  	v6 =	vld [tilespmem:s26+$0x5E0]  }
0x88: {  	v13 =	vld [tilespmem:s26+$0x5A0]  }
0x89: {  	v10 =	vld [tilespmem:s26+$0x85A0]  }
0x8a: {  	v7 =	vld [tilespmem:s26+$0x5C0]  }
0x8b: {  	v8 =	vld [tilespmem:s26+$0x85C0]  }
0x8c: {  	v9 =	vld [tilespmem:s26+$0x5D0]  }
0x8d: {  	v11 =	vld [tilespmem:s26+$0x85D0]  }
0x8e: {  	v15 =	vld [tilespmem:s26+$0x560]  }
0x8f: {  	v14 =	vld [tilespmem:s26+$0x8560]  }
0x90: {  	v3 =	vld [tilespmem:s26+$0x580]  }
0x91: {  	v2 =	vld [tilespmem:s26+$0x8580]  }
0x92: {  	v1 =	vld [tilespmem:s26+$0x590]  }
0x93: {  	v17 =	vld [tilespmem:s26+$0x4F0]  }
0x94: {  	v16 =	vld [tilespmem:s26+$0x84F0]  }
0x95: {  	v31 =	vld [tilespmem:s26+$0x4B0]  }
0x96: {  	v30 =	vld [tilespmem:s26+$0x84B0]  }
0x97: {  	v19 =	vld [tilespmem:s26+$0x430]  }
0x98: {  	v18 =	vld [tilespmem:s26+$0x8430]  }
0x99: {  	v12 =	vld [tilespmem:s26+$0x4A0]  }
0x9a: {  	[tilespmem:$0x1FE70] =	vst v51;
	v51 =	vld [tilespmem:s26+$0x8620]  }
0x9b: {  	[tilespmem:$0x1FE80] =	vst v52;
	v52 =	vld [tilespmem:s26+$0x640]  }
0x9c: {  	[tilespmem:$0x1FE90] =	vst v53;
	v53 =	vld [tilespmem:s26+$0x8640]  }
0x9d: {  	[tilespmem:$0x1FE50] =	vst v54;
	v54 =	vld [tilespmem:s26+$0x650]  }
0x9e: {  	[tilespmem:$0x1FD00] =	vst v55;
	v55 =	vld [tilespmem:s26+$0x8650]  }
0x9f: {  	[tilespmem:$0x1FD10] =	vst v56;
	v56 =	vld [tilespmem:s26+$0x5B0]  }
0xa0: {  	[tilespmem:$0x1FE10] =	vst v57;
	v57 =	vld [tilespmem:s26+$0x85B0]  }
0xa1: {  	[tilespmem:$0x1FE20] =	vst v58;
	v58 =	vld [tilespmem:s26+$0x600]  }
0xa2: {  	[tilespmem:$0x1FE30] =	vst v59;
	v59 =	vld [tilespmem:s26+$0x8600]  }
0xa3: {  	[tilespmem:$0x1FE40] =	vst v60;
	v60 =	vld [tilespmem:s26+$0x610]  }
0xa4: {  	[tilespmem:$0x1FE00] =	vst v61;
	v61 =	vld [tilespmem:s26+$0x8610]  }
0xa5: {  	[tilespmem:$0x1FDC0] =	vst v62;
	v62 =	vld [tilespmem:s26+$0x570]  }
0xa6: {  	[tilespmem:$0x1FDD0] =	vst v63;
	v63 =	vld [tilespmem:s26+$0x8570]  }
0xa7: {  	[tilespmem:$0x1FE60] =	vst v0;
	v0 =	vld [tilespmem:s26+$0x8590]  }
0xa8: {  	[tilespmem:$0x1FDE0] =	vst v4;
	v4 =	vld [tilespmem:s26+$0x520]  }
0xa9: {  	[tilespmem:$0x1FD70] =	vst v7;
	v7 =	vld [tilespmem:s26+$0x540]  }
0xaa: {  	[tilespmem:$0x1FDB0] =	vst v6;
	v6 =	vld [tilespmem:s26+$0x8540]  }
0xab: {  	[tilespmem:$0x1FDF0] =	vst v5;
	v5 =	vld [tilespmem:s26+$0x550]  }
0xac: {  	[tilespmem:$0x1FD90] =	vst v9;
	v9 =	vld [tilespmem:s26+$0x4E0]  }
0xad: {  	[tilespmem:$0x1FD80] =	vst v8;
	v8 =	vld [tilespmem:s26+$0x84E0]  }
0xae: {  	[tilespmem:$0x1FDA0] =	vst v11;
	v11 =	vld [tilespmem:s26+$0x500]  }
0xaf: {  	v26 =	vmul.f32 v27, v26;
	v27 =	vmul.f32 v29, v28;
	v28 =	vld [tilespmem:s26+$0x4C0]  }
0xb0: {  	v29 =	vmul.f32 v37, v36;
	v37 =	vld [tilespmem:s26+$0x84C0]  }
0xb1: {  	v22 =	vmul.f32 v23, v22;
	v23 =	vld [tilespmem:s26+$0x4D0]  }
0xb2: {  	v24 =	vmul.f32 v25, v24;
	v25 =	vld [tilespmem:s26+$0x8420]  }
0xb3: {  	v36 =	vmul.f32 v39, v38;
	v39 =	vld [tilespmem:$0x1FD70]  }
0xb4: {  	v20 =	vmul.f32 v21, v20;
	v40 =	vmul.f32 v41, v40;
	v41 =	vld [tilespmem:$0x1FD90]  }
0xb5: {  	v26 =	vadd.f32 v27, v26;
	v21 =	vadd.f32 v36, v29;
	v27 =	vmul.f32 v33, v32;
	v29 =	vld [tilespmem:s26+$0x84D0]  }
0xb6: {  	v33 =	vld [tilespmem:s26+$0x420]  }
0xb7: {  	v21 =	vadd.f32 v27, v21;
	v27 =	vld [tilespmem:s26+$0x480]  }
0xb8: {  	[tilespmem:$0x1FD60] =	vst v4;
	v4 =	vld [tilespmem:s26+$0x8550]  }
0xb9: {  	[tilespmem:$0x1FD20] =	vst v11;
	v11 =	vld [tilespmem:s26+$0x8500]  }
0xba: {  	v22 =	vadd.f32 v22, v26;
	v26 =	vmul.f32 v43, v42;
	v43 =	vmul.f32 v53, v52;
	v52 =	vld [tilespmem:s26+$0x490]  }
0xbb: {  	v53 =	vld [tilespmem:$0x1FD00]  }
0xbc: {  	v42 =	vmul.f32 v45, v44;
	v44 =	vmul.f32 v55, v54;
	v54 =	vld [tilespmem:$0x1FD10]  }
0xbd: {  	v45 =	vmul.f32 v61, v60;
	v60 =	vld [tilespmem:s26+$0x8400]  }
0xbe: {  	v61 =	vld [tilespmem:s26+$0x400]  }
0xbf: {  	v55 =	vmul.f32 v49, v48;
	v48 =	vmul.f32 v14, v15;
	v14 =	vld [tilespmem:s26+$0x450]  }
0xc0: {  	v49 =	vld [tilespmem:s26+$0x8450]  }
0xc1: {  	v21 =	vadd.f32 v24, v21;
	v24 =	vld [tilespmem:s26+$0x8480]  }
0xc2: {  	v20 =	vadd.f32 v20, v22;
	v22 =	vadd.f32 v42, v26;
	v42 =	vld [tilespmem:s26+$0x410]  }
0xc3: {  	v15 =	vmul.f32 v63, v62;
	v62 =	vld [tilespmem:$0x1FD20]  }
0xc4: {  	v26 =	vmul.f32 v35, v34;
	v35 =	vld [tilespmem:s26+$0x5F0]  }
0xc5: {  	v36 =	vld [tilespmem:$0x1FD60]  }
0xc6: {  	v32 =	vadd.f32 v44, v43;
	v43 =	vmul.f32 v10, v13;
	v44 =	vld [tilespmem:s26+$0x8410]  }
0xc7: {  	v13 =	vmul.f32 v29, v23;
	v23 =	vmul.f32 v57, v56;
	v56 =	vld [tilespmem:s26+$0x8520]  }
0xc8: {  	[tilespmem:$0x1FD30] =	vst v11;
	v11 =	vld [tilespmem:s26+$0x510]  }
0xc9: {  	v22 =	vadd.f32 v26, v22;
	v26 =	vmul.f32 v59, v58;
	v58 =	vld [tilespmem:s26+$0x8490]  }
0xca: {  	v59 =	vmul.f32 v51, v50;
	v51 =	vmul.f32 v16, v17;
	v16 =	vld [tilespmem:s26+$0x8460]  }
0xcb: {  	v32 =	vadd.f32 v55, v32;
	v55 =	vmul.f32 v49, v14;
	v14 =	vld [tilespmem:s26+$0x8530]  }
0xcc: {  	v38 =	vmul.f32 v54, v53;
	v26 =	vadd.f32 v45, v26;
	v50 =	vmul.f32 v24, v27;
	v24 =	vld [tilespmem:s26+$0x460]  }
0xcd: {  	v6 =	vmul.f32 v6, v7;
	v4 =	vmul.f32 v4, v5;
	v32 =	vadd.f32 v40, v32;
	[tilespmem:$0x1FD40] =	vst v11;
	v11 =	vld [tilespmem:s26+$0x8510]  }
0xce: {  	(xrf2) =	vadd.scan.msk.f32 $0xffff, v20;
	v40 =	vld [tilespmem:$0x1FD80];
	v38 =	vadd.f32 v38, v22;
	v22 =	vadd.f32 v59, v26;
	v26 =	vmul.f32 v47, v46  }
0xcf: {  	(xrf2) =	vadd.scan.msk.f32 $0xffff, v21;
	v46 =	vld [tilespmem:s26+$0x440];
	v4 =	vadd.f32 v4, v6  }
0xd0: {  	v2 =	vmul.f32 v2, v3;
	v0 =	vmul.f32 v0, v1;
	v45 =	vadd.f32 v26, v22;
	v22 =	vld [tilespmem:s26+$0x8440];
	(xrf2) =	vadd.scan.msk.f32 $0xffff, v38  }
0xd1: {  	v4 =	vadd.f32 v48, v4;
	(xrf2) =	vadd.scan.msk.f32 $0xffff, v32;
	v32 =	vld [tilespmem:$0x1FD40]  }
0xd2: {  	v0 =	vadd.f32 v0, v2;
	[tilespmem:$0x1FD50] =	vst v11;
	v11 =	vld [tilespmem:s26+$0x84A0]  }
0xd3: {  	v47 =	vmul.f32 v37, v28;
	v4 =	vadd.f32 v15, v4;
	v15 =	vld [tilespmem:$0x1FD50]  }
0xd4: {  	v0 =	vadd.f32 v43, v0;
	v37 =	vld [tilespmem:s26+$0x85F0]  }
0xd5: {  	v10 =	vmul.f32 v44, v42;
	v42 =	vld [tilespmem:$0x1FDA0];
	v2 =	vadd.f32 v13, v47;
	v13 =	vmul.f32 v58, v52  }
0xd6: {  	v1 =	vmul.f32 v60, v61;
	v0 =	vadd.f32 v23, v0;
	v47 =	vld [tilespmem:$0x1FDB0]  }
0xd7: {  	v6 =	vadd.f32 v13, v50;
	v13 =	vld [tilespmem:s26+$0x530];
	v54 =	vmul.f32 v22, v46;
	v11 =	vmul.f32 v11, v12  }
0xd8: {  	v1 =	vadd.f32 v10, v1;
	v58 =	vmul.f32 v25, v33;
	v10 =	vmul.f32 v15, v32;
	v15 =	vld [tilespmem:s26+$0x85E0]  }
0xd9: {  	v52 =	vld [tilespmem:s26+$0x8470];
	(xrf2) =	vadd.scan.msk.f32 $0xffff, v45;
	v60 =	vmul.f32 v16, v24;
	v53 =	vadd.f32 v11, v6;
	v6 =	vadd.f32 v55, v54  }
0xda: {  	v61 =	vadd.f32 v58, v1;
	(xrf2) =	vadd.scan.msk.f32 $0xffff, v0;
	v12 =	vld [tilespmem:s26+$0x470]  }
0xdb: {  	v58 =	vld [tilespmem:$0x1FE10];
	(xrf2) =	vadd.scan.msk.f32 $0xffff, v4;
	v4 =	vmul.f32 v40, v39;
	v33 =	vadd.f32 v60, v6;
	v6 =	vmul.f32 v42, v41  }
0xdc: {  	v45 =	vmul.f32 v14, v13;
	v14 =	vld [tilespmem:$0x1FE20]  }
0xdd: {  	v17 =	vld [tilespmem:$0x1FE70];
	v4 =	vadd.f32 v6, v4;
	v6 =	vmul.f32 v15, v47  }
0xde: {  	v63 =	vld [tilespmem:$0x1FD30]  }
0xdf: {  	v5 =	vmul.f32 v37, v35;
	v34 =	vmul.f32 v52, v12;
	v52 =	vld [tilespmem:$0x1FDE0];
	v4 =	vadd.f32 v6, v4  }
0xe0: {  	v15 =	vld [tilespmem:$0x1FE40]  }
0xe1: {  	v4 =	vadd.f32 v5, v4;
	v5 =	vmul.f32 v14, v58;
	v14 =	vld [tilespmem:$0x1FE30]  }
0xe2: {  	v8 =	vmul.f32 v8, v9;
	v12 =	vld [tilespmem:$0x1FDF0]  }
0xe3: {  	v43 =	vld [tilespmem:s26+$0x86A0]  }
0xe4: {  	v48 =	vld [tilespmem:s26+$0x86B0];
	v2 =	vadd.f32 v8, v2  }
0xe5: {  	v57 =	vmul.f32 v30, v31;
	v50 =	vld [tilespmem:$0x1FDC0]  }
0xe6: {  	v59 =	vmul.f32 v18, v19;
	v2 =	vadd.f32 v51, v2;
	v51 =	vld [tilespmem:$0x1FDD0];
	v14 =	vmul.f32 v15, v14  }
0xe7: {  	v1 =	vmul.f32 v63, v62;
	v11 =	vmul.f32 v12, v52;
	v12 =	vld [tilespmem:s26+$0x8760]  }
0xe8: {  	v3 =	vadd.f32 v57, v53;
	v5 =	vadd.f32 v14, v5;
	v14 =	vld [tilespmem:$0x1FE50]  }
0xe9: {  	v0 =	vadd.f32 v59, v61;
	(xrf2) =	vadd.scan.msk.f32 $0xffff, v2;
	v2 =	vmul.f32 v56, v36;
	v55 =	vld [tilespmem:$0x1FE00];
	v1 =	vadd.f32 v10, v1  }
0xea: {  	v62 =	vld [tilespmem:$0x1FE60];
	(xrf2) =	vadd.scan.msk.f32 $0xffff, v3;
	v38 =	vadd.f32 v34, v33  }
0xeb: {  	v46 =	vld [tilespmem:s26+$0x6B0];
	v44 =	vadd.f32 v2, v1;
	(xrf2) =	vadd.scan.msk.f32 $0xffff, v0  }
0xec: {  	v63 =	vld [tilespmem:$0x1FE80];
	v9, _, _ =	vpop (xrf2);
	v1 =	vmul.f32 v51, v50;
	(xrf2) =	vadd.scan.msk.f32 $0xffff, v38  }
0xed: {  	v49, _, _ =	vpop (xrf2);
	v56 =	vld [tilespmem:s26+$0x8770];
	v0 =	vadd.f32 v45, v44;
	v12 =	vmul.f32 v12, v14  }
0xee: {  	v13, _, _ =	vpop (xrf2);
	v53 =	vld [tilespmem:s26+$0x770];
	v8 =	vmul.f32 v43, v55;
	v1 =	vadd.f32 v11, v1  }
0xef: {  	v54, _, _ =	vpop (xrf2);
	(xrf2) =	vadd.scan.msk.f32 $0xffff, v0;
	v5 =	vadd.f32 v12, v5;
	v12 =	vld [tilespmem:$0x1FE90]  }
0xf0: {  	v59 =	vld [tilespmem:s26+$0x87E0];
	v57, _, _ =	vpop (xrf2);
	v2 =	vmul.f32 v48, v46;
	v1 =	vadd.f32 v8, v1  }
0xf1: {  	v16, _, _ =	vpop (xrf2);
	v15 =	vld [tilespmem:s26+$0x7E0]  }
0xf2: {  	v60, _, _ =	vpop (xrf2);
	(xrf2) =	vadd.scan.msk.f32 $0xffff, v4;
	v1 =	vadd.f32 v2, v1;
	v2 =	vmul.f32 v17, v62;
	v17 =	vld [tilespmem:s26+$0x87F0]  }
0xf3: {  	v61, _, _ =	vpop (xrf2);
	v14 =	vld [tilespmem:s26+$0x7F0]  }
0xf4: {  	v6 =	vmul.f32 v56, v53;
	v18, _, _ =	vpop (xrf2);
	v11 =	vmul.f32 v12, v63  }
0xf5: {  	(xrf2) =	vadd.scan.msk.f32 $0xffff, v1;
	v12, _, _ =	vpop (xrf2)  }
0xf6: {  	v33 =	vmul.f32 v59, v15;
	v32 =	vadd.f32 v6, v5;
	v34, _, _ =	vpop (xrf2);
	v2 =	vadd.f32 v11, v2  }
0xf7: {  	v35 =	vbroadcast v12, $0xF;
	v6 =	vbroadcast v34, $0xF  }
0xf8: {  	v36 =	vbroadcast v18, $0xF;
	v37 =	vmul.f32 v17, v14;
	(xrf2) =	vadd.scan.msk.f32 $0xffff, v32;
	v2 =	vadd.f32 v33, v2  }
0xf9: {  	v4 =	vbroadcast v61, $0xF;
	v39, _, _ =	vpop (xrf2);
	v38 =	vsel vm0, v35, v6  }
0xfa: {  	v6 =	vbroadcast v39, $0xF;
	v1 =	vsel vm1, v38, v36;
	v2 =	vadd.f32 v37, v2  }
0xfb: {  	v40 =	vbroadcast v60, $0xF;
	v1 =	vsel vm2, v1, v4  }
0xfc: {  	v41 =	vbroadcast v16, $0xF;
	v42, _, _ =	vpop (xrf2);
	v1 =	vsel vm3, v1, v6;
	(xrf2) =	vadd.scan.msk.f32 $0xffff, v2  }
0xfd: {  	v43 =	vbroadcast v42, $0xF;
	v1 =	vsel vm4, v1, v40  }
0xfe: {  	v0 =	vbroadcast v57, $0xF;
	v1 =	vsel vm5, v1, v41  }
0xff: {  	v44 =	vbroadcast v54, $0xF;
	v45, _, _ =	vpop (xrf2);
	v1 =	vsel vm6, v1, v43  }
0x100: {  	v46 =	vbroadcast v45, $0xF;
	v0 =	vsel vm7, v1, v0  }
0x101: {  	v47 =	vbroadcast v13, $0xF;
	v0 =	vsel vm8, v0, v44  }
0x102: {  	v48 =	vbroadcast v49, $0xF;
	v49, _, _ =	vpop (xrf2);
	v0 =	vsel vm9, v0, v46  }
0x103: {  	v50 =	vbroadcast v49, $0xF;
	v0 =	vsel vm10, v0, v47  }
0x104: {  	v51 =	vbroadcast v9, $0xF;
	v0 =	vsel vm11, v0, v48  }
0x105: {  	v0 =	vsel vm12, v0, v50  }
0x106: {  	v0 =	vsel vm13, v0, v51;
	v52, _, _ =	vpop (xrf2)  }
0x107: {  	v0 =	vsel vm14, v0, v52  }
0x108: {  	s24 =	simm.s32 $0x400;
	[tilespmem:s2+$0x0] =	vst v0  }
0x109: {  	v6 =	vld [tilespmem:s24+$0x7B0]  }
0x10a: {  	v9 =	vld [tilespmem:s24+$0x87B0]  }
0x10b: {  	v0 =	vld [tilespmem:s24+$0x7C0]  }
0x10c: {  	v53 =	vld [tilespmem:s24+$0x87C0]  }
0x10d: {  	v54 =	vld [tilespmem:s24+$0x7D0]  }
0x10e: {  	v55 =	vld [tilespmem:s24+$0x87D0]  }
0x10f: {  	v56 =	vld [tilespmem:s24+$0x7A0]  }
0x110: {  	v31 =	vld [tilespmem:s24+$0x87A0]  }
0x111: {  	v11 =	vld [tilespmem:s24+$0x730]  }
0x112: {  	v12 =	vld [tilespmem:s24+$0x8730]  }
0x113: {  	v57 =	vld [tilespmem:s24+$0x760]  }
0x114: {  	v26 =	vld [tilespmem:s24+$0x780]  }
0x115: {  	v32 =	vld [tilespmem:s24+$0x8780]  }
0x116: {  	v33 =	vld [tilespmem:s24+$0x790]  }
0x117: {  	v34 =	vld [tilespmem:s24+$0x8790]  }
0x118: {  	v14 =	vld [tilespmem:s24+$0x6F0]  }
0x119: {  	v23 =	vld [tilespmem:s24+$0x86F0]  }
0x11a: {  	v58 =	vld [tilespmem:s24+$0x720]  }
0x11b: {  	v63 =	vld [tilespmem:s24+$0x8720]  }
0x11c: {  	v59 =	vld [tilespmem:s24+$0x740]  }
0x11d: {  	v60 =	vld [tilespmem:s24+$0x8740]  }
0x11e: {  	v61 =	vld [tilespmem:s24+$0x750]  }
0x11f: {  	v62 =	vld [tilespmem:s24+$0x8750]  }
0x120: {  	v36 =	vld [tilespmem:s24+$0x6E0]  }
0x121: {  	v35 =	vld [tilespmem:s24+$0x86E0]  }
0x122: {  	v43 =	vld [tilespmem:s24+$0x700]  }
0x123: {  	v44 =	vld [tilespmem:s24+$0x8700]  }
0x124: {  	v45 =	vld [tilespmem:s24+$0x710]  }
0x125: {  	v46 =	vld [tilespmem:s24+$0x8710]  }
0x126: {  	v5 =	vld [tilespmem:s24+$0x670]  }
0x127: {  	v7 =	vld [tilespmem:s24+$0x8670]  }
0x128: {  	v4 =	vld [tilespmem:s24+$0x6A0]  }
0x129: {  	v49 =	vld [tilespmem:s24+$0x6C0]  }
0x12a: {  	v1 =	vld [tilespmem:s24+$0x86C0]  }
0x12b: {  	v2 =	vld [tilespmem:s24+$0x6D0]  }
0x12c: {  	v52 =	vld [tilespmem:s24+$0x86D0]  }
0x12d: {  	v3 =	vld [tilespmem:s24+$0x630]  }
0x12e: {  	v8 =	vld [tilespmem:s24+$0x680]  }
0x12f: {  	v10 =	vld [tilespmem:s24+$0x8680]  }
0x130: {  	v37 =	vld [tilespmem:s24+$0x690]  }
0x131: {  	v38 =	vld [tilespmem:s24+$0x8690]  }
0x132: {  	v50 =	vld [tilespmem:s24+$0x620]  }
0x133: {  	v39 =	vld [tilespmem:s24+$0x8620]  }
0x134: {  	v13 =	vld [tilespmem:s24+$0x5B0]  }
0x135: {  	v20 =	vld [tilespmem:s24+$0x85B0]  }
0x136: {  	v40 =	vld [tilespmem:s24+$0x5E0]  }
0x137: {  	v48 =	vld [tilespmem:s24+$0x8600]  }
0x138: {  	v47 =	vld [tilespmem:s24+$0x8610]  }
0x139: {  	v15 =	vld [tilespmem:s24+$0x5C0]  }
0x13a: {  	v16 =	vld [tilespmem:s24+$0x85C0]  }
0x13b: {  	v17 =	vld [tilespmem:s24+$0x5D0]  }
0x13c: {  	v18 =	vld [tilespmem:s24+$0x85D0]  }
0x13d: {  	v41 =	vld [tilespmem:s24+$0x560]  }
0x13e: {  	v42 =	vld [tilespmem:s24+$0x8560]  }
0x13f: {  	v22 =	vld [tilespmem:s24+$0x8580]  }
0x140: {  	v21 =	vld [tilespmem:s24+$0x8590]  }
0x141: {  	v29 =	vld [tilespmem:s24+$0x4F0]  }
0x142: {  	v30 =	vld [tilespmem:s24+$0x84F0]  }
0x143: {  	v19 =	vld [tilespmem:s24+$0x520]  }
0x144: {  	v27 =	vld [tilespmem:s24+$0x4B0]  }
0x145: {  	v28 =	vld [tilespmem:s24+$0x84B0]  }
0x146: {  	v51 =	vld [tilespmem:s24+$0x4E0]  }
0x147: {  	v24 =	vld [tilespmem:s24+$0x8500]  }
0x148: {  	v25 =	vld [tilespmem:s24+$0x510]  }
0x149: {  	[tilespmem:$0x1FF30] =	vst v4;
	v4 =	vld [tilespmem:s24+$0x8630]  }
0x14a: {  	[tilespmem:$0x1FFA0] =	vst v58;
	v58 =	vld [tilespmem:s24+$0x660]  }
0x14b: {  	[tilespmem:$0x1FEE0] =	vst v57;
	v57 =	vld [tilespmem:s24+$0x8660]  }
0x14c: {  	[tilespmem:$0x1FEF0] =	vst v59;
	v59 =	vld [tilespmem:s24+$0x640]  }
0x14d: {  	[tilespmem:$0x1FF00] =	vst v60;
	v60 =	vld [tilespmem:s24+$0x8640]  }
0x14e: {  	[tilespmem:$0x1FF10] =	vst v61;
	v61 =	vld [tilespmem:s24+$0x650]  }
0x14f: {  	[tilespmem:$0x1FF20] =	vst v62;
	v62 =	vld [tilespmem:s24+$0x8650]  }
0x150: {  	[tilespmem:$0x1FEC0] =	vst v54;
	v54 =	vld [tilespmem:s24+$0x600]  }
0x151: {  	[tilespmem:$0x1FEB0] =	vst v53;
	v53 =	vld [tilespmem:s24+$0x610]  }
0x152: {  	[tilespmem:$0x1FF40] =	vst v8;
	v8 =	vld [tilespmem:s24+$0x570]  }
0x153: {  	[tilespmem:$0x1FF50] =	vst v10;
	v10 =	vld [tilespmem:s24+$0x8570]  }
0x154: {  	[tilespmem:$0x1FF90] =	vst v56;
	v56 =	vld [tilespmem:s24+$0x5A0]  }
0x155: {  	[tilespmem:$0x1FED0] =	vst v55;
	v55 =	vld [tilespmem:s24+$0x85A0]  }
0x156: {  	[tilespmem:$0x1FF70] =	vst v38;
	v38 =	vld [tilespmem:s24+$0x580]  }
0x157: {  	[tilespmem:$0x1FF60] =	vst v37;
	v37 =	vld [tilespmem:s24+$0x590]  }
0x158: {  	[tilespmem:$0x1FFD0] =	vst v42;
	v42 =	vld [tilespmem:s24+$0x540]  }
0x159: {  	[tilespmem:$0x1FF80] =	vst v40;
	v40 =	vld [tilespmem:s24+$0x8540]  }
0x15a: {  	[tilespmem:$0x1FFC0] =	vst v41;
	v41 =	vld [tilespmem:s24+$0x550]  }
0x15b: {  	[tilespmem:$0x1FFB0] =	vst v39;
	v39 =	vld [tilespmem:s24+$0x8550]  }
0x15c: {  	[tilespmem:$0x1FFE0] =	vst v51;
	v51 =	vld [tilespmem:s24+$0x84E0]  }
0x15d: {  	v32 =	vmul.f32 v32, v26;
	v26 =	vld [tilespmem:s24+$0x8510];
	v43 =	vmul.f32 v44, v43  }
0x15e: {  	v44 =	vmul.f32 v46, v45;
	v45 =	vmul.f32 v1, v49;
	v49 =	vld [tilespmem:s24+$0x4D0]  }
0x15f: {  	v1 =	vld [tilespmem:s24+$0x480]  }
0x160: {  	v33 =	vmul.f32 v34, v33;
	v34 =	vld [tilespmem:$0x1FF90]  }
0x161: {  	v46 =	vmul.f32 v52, v2;
	v52 =	vld [tilespmem:$0x1FFA0]  }
0x162: {  	v5 =	vmul.f32 v7, v5;
	v7 =	vld [tilespmem:$0x1FFB0]  }
0x163: {  	[tilespmem:$0x1FEA0] =	vst v0;
	v0 =	vadd.f32 v33, v32;
	v32 =	vld [tilespmem:s24+$0x8430]  }
0x164: {  	v33 =	vld [tilespmem:s24+$0x4A0]  }
0x165: {  	v45 =	vadd.f32 v46, v45;
	v46 =	vld [tilespmem:s24+$0x4C0]  }
0x166: {  	v43 =	vadd.f32 v44, v43;
	v44 =	vld [tilespmem:s24+$0x84C0]  }
0x167: {  	v6 =	vmul.f32 v9, v6;
	v35 =	vmul.f32 v35, v36;
	[tilespmem:$0x1FFF0] =	vst v51;
	v51 =	vld [tilespmem:s24+$0x500]  }
0x168: {  	v21 =	vmul.f32 v21, v37;
	v37 =	vld [tilespmem:s24+$0x8400];
	v34 =	vmul.f32 v31, v34  }
0x169: {  	v22 =	vmul.f32 v22, v38;
	v38 =	vld [tilespmem:s24+$0x400];
	v2 =	vmul.f32 v63, v52  }
0x16a: {  	v11 =	vmul.f32 v12, v11;
	v39 =	vmul.f32 v39, v41;
	v41 =	vld [tilespmem:s24+$0x8410];
	v0 =	vadd.f32 v34, v0  }
0x16b: {  	v35 =	vadd.f32 v35, v45;
	v40 =	vmul.f32 v40, v42;
	v31 =	vld [tilespmem:s24+$0x430];
	v9 =	vadd.f32 v2, v43  }
0x16c: {  	v52 =	vmul.f32 v23, v14;
	v63 =	vmul.f32 v57, v58;
	v57 =	vld [tilespmem:$0x1FFC0];
	v0 =	vadd.f32 v6, v0  }
0x16d: {  	v58 =	vld [tilespmem:$0x1FFD0];
	v36 =	vadd.f32 v11, v9  }
0x16e: {  	v40 =	vadd.f32 v39, v40;
	v39 =	vld [tilespmem:s24+$0x410];
	v45 =	vadd.f32 v52, v35;
	(xrf2) =	vadd.scan.msk.f32 $0xffff, v0  }
0x16f: {  	v60 =	vmul.f32 v60, v59;
	v62 =	vmul.f32 v62, v61;
	v34 =	vld [tilespmem:s24+$0x84A0];
	(xrf2) =	vadd.scan.msk.f32 $0xffff, v36  }
0x170: {  	v48 =	vmul.f32 v48, v54;
	v47 =	vmul.f32 v47, v53;
	v43 =	vld [tilespmem:s24+$0x84D0];
	(xrf2) =	vadd.scan.msk.f32 $0xffff, v45  }
0x171: {  	v21 =	vadd.f32 v21, v22;
	v52 =	vld [tilespmem:s24+$0x8480]  }
0x172: {  	v22 =	vmul.f32 v55, v56;
	v6 =	vadd.f32 v47, v48;
	v48 =	vld [tilespmem:s24+$0x490];
	v0 =	vadd.f32 v62, v60  }
0x173: {  	v9 =	vmul.f32 v7, v50;
	v11 =	vld [tilespmem:s24+$0x8490]  }
0x174: {  	v21 =	vadd.f32 v22, v21;
	v22 =	vmul.f32 v20, v13;
	v62 =	vld [tilespmem:$0x1FFE0];
	v0 =	vadd.f32 v63, v0  }
0x175: {  	v56 =	vmul.f32 v4, v3;
	v55 =	vadd.f32 v9, v6;
	v63 =	vld [tilespmem:$0x1FFF0]  }
0x176: {  	v35 =	vld [tilespmem:s24+$0x420];
	v59 =	vmul.f32 v58, v57;
	v22 =	vadd.f32 v22, v21;
	v0 =	vadd.f32 v5, v0  }
0x177: {  	v44 =	vmul.f32 v44, v46;
	v36 =	vld [tilespmem:s24+$0x8420];
	v43 =	vmul.f32 v43, v49;
	v42 =	vadd.f32 v56, v55  }
0x178: {  	v61 =	vmul.f32 v10, v8;
	v60 =	vadd.f32 v59, v40;
	v40 =	vld [tilespmem:s24+$0x440];
	(xrf2) =	vadd.scan.msk.f32 $0xffff, v0;
	v54, _, _ =	vpop (xrf2)  }
0x179: {  	v47 =	vmul.f32 v52, v1;
	v45 =	vadd.f32 v43, v44;
	v43 =	vld [tilespmem:s24+$0x450];
	(xrf2) =	vadd.scan.msk.f32 $0xffff, v42;
	v21, _, _ =	vpop (xrf2)  }
0x17a: {  	s25 =	simm.s32 $0x10400;
	s26 =	simm.s32 $0x2000;
	v48 =	vmul.f32 v11, v48;
	v44 =	vadd.f32 v61, v60;
	v46 =	vmul.f32 v63, v62;
	v42 =	vld [tilespmem:s24+$0x8440];
	(xrf2) =	vadd.scan.msk.f32 $0xffff, v22;
	v22, _, _ =	vpop (xrf2)  }
.LBB2_2:
0x17b: {  	v49 =	vld [tilespmem:s24+$0x8450]  }
0x17c: {  	v9 =	vld [tilespmem:s24+$0x8460]  }
0x17d: {  	v10 =	vld [tilespmem:s24+$0x470]  }
0x17e: {  	v50 =	vld [tilespmem:s24+$0x8530]  }
0x17f: {  	v15 =	vmul.f32 v16, v15;
	v16 =	vmul.f32 v18, v17;
	v17 =	vld [tilespmem:s24+$0x86A0]  }
0x180: {  	v52 =	vld [tilespmem:$0x1FF40]  }
0x181: {  	v1 =	vld [tilespmem:$0x1FF50]  }
0x182: {  	v53 =	vld [tilespmem:$0x1FF60]  }
0x183: {  	v55 =	vld [tilespmem:$0x1FF70]  }
0x184: {  	v12 =	vld [tilespmem:s24+$0x8760]  }
0x185: {  	v56 =	vld [tilespmem:$0x1FF30]  }
0x186: {  	v57 =	vld [tilespmem:s24+$0x8770]  }
0x187: {  	v58 =	vld [tilespmem:$0x1FEF0]  }
0x188: {  	v59 =	vld [tilespmem:$0x1FF00]  }
0x189: {  	v60 =	vld [tilespmem:$0x1FF10]  }
0x18a: {  	v61 =	vld [tilespmem:$0x1FF20]  }
0x18b: {  	v62 =	vld [tilespmem:$0x1FEE0];
	v45 =	vadd.f32 v46, v45;
	v0 =	vmul.f32 v30, v29;
	v33 =	vmul.f32 v34, v33  }
0x18c: {  	v6 =	vadd.f32 v48, v47;
	v30 =	vld [tilespmem:s24+$0x460];
	v7 =	vmul.f32 v37, v38;
	v8 =	vmul.f32 v41, v39  }
0x18d: {  	(xrf2) =	vadd.scan.msk.f32 $0xffff, v44;
	v47 =	vld [tilespmem:s24+$0x8520];
	v15 =	vadd.f32 v16, v15;
	v27 =	vmul.f32 v28, v27;
	v11 =	vmul.f32 v36, v35  }
0x18e: {  	v44 =	vld [tilespmem:s24+$0x8470];
	v31 =	vmul.f32 v32, v31;
	v0 =	vadd.f32 v0, v45;
	v33 =	vadd.f32 v33, v6  }
0x18f: {  	v48 =	vld [tilespmem:s24+$0x530];
	v46 =	vmul.f32 v49, v43;
	v28 =	vadd.f32 v8, v7;
	v45 =	vmul.f32 v42, v40  }
0x190: {  	v16 =	vld [tilespmem:s24+$0x86B0];
	v23 =	vmul.f32 v24, v51;
	v24 =	vmul.f32 v26, v25;
	v29, _, _ =	vpop (xrf2);
	(xrf2) =	vadd.scan.msk.f32 $0xffff, v0;
	v27 =	vadd.f32 v27, v33  }
0x191: {  	v25 =	vld [tilespmem:s24+$0x85E0];
	v28 =	vadd.f32 v11, v28;
	v49 =	vadd.f32 v46, v45;
	v30 =	vmul.f32 v9, v30  }
0x192: {  	v51 =	vld [tilespmem:$0x1FF80];
	v23 =	vadd.f32 v24, v23;
	v20 =	vmul.f32 v47, v19  }
0x193: {  	v24 =	vld [tilespmem:s24+$0x85F0];
	v39, _, _ =	vpop (xrf2);
	(xrf2) =	vadd.scan.msk.f32 $0xffff, v27;
	v27 =	vadd.f32 v31, v28;
	v28 =	vadd.f32 v30, v49;
	v30 =	vmul.f32 v44, v10  }
0x194: {  	v31 =	vld [tilespmem:s24+$0x5F0]  }
0x195: {  	v32 =	vld [tilespmem:$0x1FEB0];
	v20 =	vadd.f32 v20, v23;
	v23 =	vmul.f32 v50, v48;
	v26, _, _ =	vpop (xrf2);
	(xrf2) =	vadd.scan.msk.f32 $0xffff, v27;
	v27 =	vadd.f32 v30, v28  }
0x196: {  	v35 =	vld [tilespmem:$0x1FEC0];
	v11 =	vmul.f32 v55, v53;
	v10 =	vmul.f32 v1, v52  }
0x197: {  	v14 =	vmul.f32 v25, v51;
	v18, _, _ =	vpop (xrf2);
	v28 =	vld [tilespmem:s24+$0x6B0];
	(xrf2) =	vadd.scan.msk.f32 $0xffff, v27  }
0x198: {  	v36 =	vld [tilespmem:$0x1FED0];
	v9 =	vmul.f32 v17, v56;
	v20 =	vadd.f32 v23, v20;
	v10 =	vadd.f32 v11, v10  }
0x199: {  	v23 =	vld [tilespmem:s24+$0x770];
	v14 =	vadd.f32 v14, v15;
	v15 =	vmul.f32 v24, v31  }
0x19a: {  	v9 =	vadd.f32 v9, v10;
	v10 =	vld [tilespmem:$0x1FEA0];
	v13, _, _ =	vpop (xrf2);
	(xrf2) =	vadd.scan.msk.f32 $0xffff, v20  }
0x19b: {  	v5 =	vmul.f32 v59, v58;
	v6 =	vmul.f32 v61, v60;
	v7 =	vld [tilespmem:s24+$0x7E0];
	v14 =	vadd.f32 v15, v14  }
0x19c: {  	v15 =	vld [tilespmem:s24+$0x87E0];
	v16 =	vmul.f32 v16, v28  }
0x19d: {  	v63 =	vld [tilespmem:s24+$0x7F0];
	v4 =	vmul.f32 v12, v62;
	v5 =	vadd.f32 v6, v5;
	v8, _, _ =	vpop (xrf2);
	(xrf2) =	vadd.scan.msk.f32 $0xffff, v14  }
0x19e: {  	v3 =	vld [tilespmem:s24+$0x87F0];
	v0 =	vmul.f32 v36, v35;
	v9 =	vadd.f32 v16, v9  }
0x19f: {  	v12 =	vadd.f32 v4, v5;
	v34 =	vmul.f32 v57, v23;
	v2 =	vmul.f32 v32, v10  }
0x1a0: {  	v33, _, _ =	vpop (xrf2);
	(xrf2) =	vadd.scan.msk.f32 $0xffff, v9  }
0x1a1: {  	v37 =	vadd.f32 v34, v12;
	v0 =	vadd.f32 v0, v2;
	v38 =	vmul.f32 v15, v7;
	v40, _, _ =	vpop (xrf2)  }
0x1a2: {  	v41 =	vbroadcast v33, $0xF;
	v42 =	vbroadcast v40, $0xF  }
0x1a3: {  	v44 =	vmul.f32 v3, v63;
	v43 =	vbroadcast v8, $0xF;
	v0 =	vadd.f32 v38, v0;
	(xrf2) =	vadd.scan.msk.f32 $0xffff, v37  }
0x1a4: {  	v46 =	vbroadcast v13, $0xF;
	v45 =	vsel vm0, v41, v42;
	v47, _, _ =	vpop (xrf2)  }
0x1a5: {  	v0 =	vadd.f32 v44, v0;
	v1 =	vsel vm1, v45, v43;
	v48 =	vbroadcast v47, $0xF  }
0x1a6: {  	v49 =	vbroadcast v18, $0xF;
	v1 =	vsel vm2, v1, v46  }
0x1a7: {  	v50 =	vbroadcast v26, $0xF;
	v51, _, _ =	vpop (xrf2);
	(xrf2) =	vadd.scan.msk.f32 $0xffff, v0;
	v1 =	vsel vm3, v1, v48  }
0x1a8: {  	v53 =	vbroadcast v51, $0xF;
	v52 =	vsel vm4, v1, v49  }
0x1a9: {  	v55 =	vbroadcast v39, $0xF;
	v0 =	vsel vm5, v52, v50  }
0x1aa: {  	v56 =	vbroadcast v29, $0xF;
	v57, _, _ =	vpop (xrf2);
	v0 =	vsel vm6, v0, v53  }
0x1ab: {  	v58 =	vbroadcast v57, $0xF;
	v0 =	vsel vm7, v0, v55  }
0x1ac: {  	v59 =	vbroadcast v22, $0xF;
	v0 =	vsel vm8, v0, v56  }
0x1ad: {  	v60 =	vbroadcast v21, $0xF;
	v61, _, _ =	vpop (xrf2);
	v0 =	vsel vm9, v0, v58  }
0x1ae: {  	v3 =	vbroadcast v61, $0xF;
	v0 =	vsel vm10, v0, v59  }
0x1af: {  	v62 =	vbroadcast v54, $0xF;
	v0 =	vsel vm11, v0, v60  }
0x1b0: {  	v0 =	vsel vm12, v0, v3  }
0x1b1: {  	v63, _, _ =	vpop (xrf2);
	v0 =	vsel vm13, v0, v62  }
0x1b2: {  	s25 =	sadd.s32 $0x10, s25;
	v0 =	vsel vm14, v0, v63  }
0x1b3: {  	s24 =	sshra.s32 s26, $0x2;
	[tilespmem:s25+$0x0] =	vst v0  }
0x1b4: {  	v0 =	vld [tilespmem:s24+$0x7B0]  }
0x1b5: {  	v21 =	vld [tilespmem:s24+$0x87B0]  }
0x1b6: {  	v4 =	vld [tilespmem:s24+$0x7C0]  }
0x1b7: {  	v5 =	vld [tilespmem:s24+$0x87C0]  }
0x1b8: {  	v6 =	vld [tilespmem:s24+$0x7D0]  }
0x1b9: {  	v7 =	vld [tilespmem:s24+$0x87D0]  }
0x1ba: {  	v26 =	vld [tilespmem:s24+$0x7A0]  }
0x1bb: {  	v31 =	vld [tilespmem:s24+$0x87A0]  }
0x1bc: {  	v35 =	vld [tilespmem:s24+$0x730]  }
0x1bd: {  	v37 =	vld [tilespmem:s24+$0x8730]  }
0x1be: {  	v8 =	vld [tilespmem:s24+$0x760]  }
0x1bf: {  	v24 =	vld [tilespmem:s24+$0x780]  }
0x1c0: {  	v25 =	vld [tilespmem:s24+$0x8780]  }
0x1c1: {  	v32 =	vld [tilespmem:s24+$0x790]  }
0x1c2: {  	v48 =	vld [tilespmem:s24+$0x8790]  }
0x1c3: {  	v9 =	vld [tilespmem:s24+$0x6F0]  }
0x1c4: {  	v22 =	vld [tilespmem:s24+$0x86F0]  }
0x1c5: {  	v33 =	vld [tilespmem:s24+$0x720]  }
0x1c6: {  	v34 =	vld [tilespmem:s24+$0x8720]  }
0x1c7: {  	v10 =	vld [tilespmem:s24+$0x740]  }
0x1c8: {  	v11 =	vld [tilespmem:s24+$0x8740]  }
0x1c9: {  	v36 =	vld [tilespmem:s24+$0x750]  }
0x1ca: {  	v38 =	vld [tilespmem:s24+$0x8750]  }
0x1cb: {  	v43 =	vld [tilespmem:s24+$0x6E0]  }
0x1cc: {  	v46 =	vld [tilespmem:s24+$0x86E0]  }
0x1cd: {  	v53 =	vld [tilespmem:s24+$0x700]  }
0x1ce: {  	v54 =	vld [tilespmem:s24+$0x8700]  }
0x1cf: {  	v55 =	vld [tilespmem:s24+$0x710]  }
0x1d0: {  	v56 =	vld [tilespmem:s24+$0x8710]  }
0x1d1: {  	v39 =	vld [tilespmem:s24+$0x670]  }
0x1d2: {  	v41 =	vld [tilespmem:s24+$0x8670]  }
0x1d3: {  	v40 =	vld [tilespmem:s24+$0x6A0]  }
0x1d4: {  	v57 =	vld [tilespmem:s24+$0x6C0]  }
0x1d5: {  	v58 =	vld [tilespmem:s24+$0x86C0]  }
0x1d6: {  	v59 =	vld [tilespmem:s24+$0x6D0]  }
0x1d7: {  	v60 =	vld [tilespmem:s24+$0x86D0]  }
0x1d8: {  	v42 =	vld [tilespmem:s24+$0x630]  }
0x1d9: {  	v44 =	vld [tilespmem:s24+$0x8630]  }
0x1da: {  	v52 =	vld [tilespmem:s24+$0x8660]  }
0x1db: {  	v45 =	vld [tilespmem:s24+$0x680]  }
0x1dc: {  	v47 =	vld [tilespmem:s24+$0x8680]  }
0x1dd: {  	v49 =	vld [tilespmem:s24+$0x690]  }
0x1de: {  	v50 =	vld [tilespmem:s24+$0x8690]  }
0x1df: {  	v61 =	vld [tilespmem:s24+$0x640]  }
0x1e0: {  	v62 =	vld [tilespmem:s24+$0x8640]  }
0x1e1: {  	v63 =	vld [tilespmem:s24+$0x650]  }
0x1e2: {  	v51 =	vld [tilespmem:s24+$0x5E0]  }
0x1e3: {  	v1 =	vld [tilespmem:s24+$0x600]  }
0x1e4: {  	v2 =	vld [tilespmem:s24+$0x8600]  }
0x1e5: {  	v3 =	vld [tilespmem:s24+$0x610]  }
0x1e6: {  	v23 =	vld [tilespmem:s24+$0x85C0]  }
0x1e7: {  	v12 =	vld [tilespmem:s24+$0x8590]  }
0x1e8: {  	v29 =	vld [tilespmem:s24+$0x4F0]  }
0x1e9: {  	v30 =	vld [tilespmem:s24+$0x84F0]  }
0x1ea: {  	v19 =	vld [tilespmem:s24+$0x520]  }
0x1eb: {  	v13 =	vld [tilespmem:s24+$0x540]  }
0x1ec: {  	v14 =	vld [tilespmem:s24+$0x8540]  }
0x1ed: {  	v15 =	vld [tilespmem:s24+$0x550]  }
0x1ee: {  	v16 =	vld [tilespmem:s24+$0x8550]  }
0x1ef: {  	v27 =	vld [tilespmem:s24+$0x4B0]  }
0x1f0: {  	v28 =	vld [tilespmem:s24+$0x84B0]  }
0x1f1: {  	v17 =	vld [tilespmem:s24+$0x4E0]  }
0x1f2: {  	v18 =	vld [tilespmem:s24+$0x84E0]  }
0x1f3: {  	[tilespmem:$0x1FF10] =	vst v36;
	v36 =	vld [tilespmem:s24+$0x660]  }
0x1f4: {  	[tilespmem:$0x1FF60] =	vst v49;
	v49 =	vld [tilespmem:s24+$0x620]  }
0x1f5: {  	[tilespmem:$0x1FF20] =	vst v38;
	v38 =	vld [tilespmem:s24+$0x8620]  }
0x1f6: {  	[tilespmem:$0x1FCB0] =	vst v0;
	v0 =	vld [tilespmem:s24+$0x8650]  }
0x1f7: {  	[tilespmem:$0x1FF30] =	vst v40;
	v40 =	vld [tilespmem:s24+$0x5B0]  }
0x1f8: {  	[tilespmem:$0x1FCD0] =	vst v39;
	v39 =	vld [tilespmem:s24+$0x85B0]  }
0x1f9: {  	[tilespmem:$0x1FEA0] =	vst v4;
	v4 =	vld [tilespmem:s24+$0x8610]  }
0x1fa: {  	[tilespmem:$0x1FCE0] =	vst v42;
	v42 =	vld [tilespmem:s24+$0x570]  }
0x1fb: {  	[tilespmem:$0x1FF40] =	vst v45;
	v45 =	vld [tilespmem:s24+$0x8570]  }
0x1fc: {  	[tilespmem:$0x1FEB0] =	vst v5;
	v5 =	vld [tilespmem:s24+$0x5A0]  }
0x1fd: {  	[tilespmem:$0x1FEC0] =	vst v6;
	v6 =	vld [tilespmem:s24+$0x85A0]  }
0x1fe: {  	[tilespmem:$0x1FF70] =	vst v50;
	v50 =	vld [tilespmem:s24+$0x5C0]  }
0x1ff: {  	[tilespmem:$0x1FF50] =	vst v47;
	v47 =	vld [tilespmem:s24+$0x5D0]  }
0x200: {  	[tilespmem:$0x1FCF0] =	vst v44;
	v44 =	vld [tilespmem:s24+$0x85D0]  }
0x201: {  	[tilespmem:$0x1FED0] =	vst v7;
	v7 =	vld [tilespmem:s24+$0x560]  }
0x202: {  	[tilespmem:$0x1FEE0] =	vst v8;
	v8 =	vld [tilespmem:s24+$0x8560]  }
0x203: {  	[tilespmem:$0x1FCC0] =	vst v9;
	v9 =	vld [tilespmem:s24+$0x580]  }
0x204: {  	[tilespmem:$0x1FEF0] =	vst v10;
	v10 =	vld [tilespmem:s24+$0x8580]  }
0x205: {  	[tilespmem:$0x1FF00] =	vst v11;
	v11 =	vld [tilespmem:s24+$0x590]  }
0x206: {  	[tilespmem:$0x1FF80] =	vst v51;
	v51 =	vld [tilespmem:s24+$0x500]  }
0x207: {  	v20 =	vmul.f32 v25, v24;
	v24 =	vld [tilespmem:s24+$0x8500]  }
0x208: {  	v32 =	vmul.f32 v48, v32;
	v25 =	vld [tilespmem:s24+$0x510]  }
0x209: {  	v48 =	vmul.f32 v54, v53;
	v53 =	vmul.f32 v56, v55;
	v56 =	vld [tilespmem:$0x1FCB0]  }
0x20a: {  	v60 =	vmul.f32 v60, v59;
	v59 =	vld [tilespmem:$0x1FCC0]  }
0x20b: {  	v43 =	vmul.f32 v46, v43;
	v46 =	vld [tilespmem:$0x1FCF0]  }
0x20c: {  	v20 =	vadd.f32 v32, v20;
	v32 =	vmul.f32 v31, v26;
	v26 =	vld [tilespmem:s24+$0x8510]  }
0x20d: {  	v58 =	vmul.f32 v58, v57;
	v31 =	vld [tilespmem:s24+$0x430]  }
0x20e: {  	v48 =	vadd.f32 v53, v48;
	v53 =	vmul.f32 v34, v33;
	v33 =	vld [tilespmem:s24+$0x4A0]  }
0x20f: {  	v34 =	vld [tilespmem:s24+$0x84A0];
	v57 =	vadd.f32 v60, v58  }
0x210: {  	v20 =	vadd.f32 v32, v20;
	v32 =	vld [tilespmem:s24+$0x8430]  }
0x211: {  	v35 =	vmul.f32 v37, v35;
	v37 =	vadd.f32 v43, v57;
	v43 =	vld [tilespmem:s24+$0x84D0]  }
0x212: {  	v60 =	vmul.f32 v52, v36;
	v36 =	vld [tilespmem:s24+$0x8420];
	v21 =	vmul.f32 v21, v56  }
0x213: {  	v58 =	vmul.f32 v62, v61;
	v0 =	vmul.f32 v0, v63;
	v63 =	vld [tilespmem:$0x1FCD0]  }
0x214: {  	v61 =	vmul.f32 v4, v3;
	v3 =	vld [tilespmem:s24+$0x8480];
	v20 =	vadd.f32 v21, v20;
	v21 =	vadd.f32 v53, v48  }
0x215: {  	v22 =	vmul.f32 v22, v59;
	v59 =	vmul.f32 v39, v40;
	v39 =	vld [tilespmem:s24+$0x410]  }
0x216: {  	v40 =	vld [tilespmem:s24+$0x440];
	v21 =	vadd.f32 v35, v21  }
0x217: {  	v48 =	vld [tilespmem:s24+$0x4C0];
	v62 =	vadd.f32 v22, v37;
	(xrf2) =	vadd.scan.msk.f32 $0xffff, v20  }
0x218: {  	v53 =	vld [tilespmem:s24+$0x4D0];
	(xrf2) =	vadd.scan.msk.f32 $0xffff, v21  }
0x219: {  	v0 =	vadd.f32 v0, v58;
	v4 =	vmul.f32 v41, v63;
	v41 =	vld [tilespmem:$0x1FCE0];
	(xrf2) =	vadd.scan.msk.f32 $0xffff, v62  }
0x21a: {  	v1 =	vmul.f32 v2, v1;
	v9 =	vmul.f32 v10, v9;
	v22 =	vld [tilespmem:s24+$0x480]  }
0x21b: {  	v37 =	vmul.f32 v38, v49;
	v38 =	vmul.f32 v12, v11;
	v0 =	vadd.f32 v60, v0;
	v20 =	vld [tilespmem:s24+$0x84C0]  }
0x21c: {  	v57 =	vmul.f32 v16, v15;
	v5 =	vmul.f32 v6, v5;
	v1 =	vadd.f32 v61, v1;
	v11 =	vld [tilespmem:s24+$0x8490]  }
0x21d: {  	v49 =	vmul.f32 v14, v13;
	v35 =	vld [tilespmem:s24+$0x420];
	v9 =	vadd.f32 v38, v9;
	v0 =	vadd.f32 v4, v0  }
0x21e: {  	p0 =	sne.s32 s26, $0x1F000;
	v16 =	vmovc v23;
	v60 =	vmul.f32 v8, v7;
	v1 =	vadd.f32 v37, v1;
	v4 =	vld [tilespmem:s24+$0x490];
	v2 =	vmul.f32 v46, v41  }
.Ltmp0:
0x21f: {  	v37 =	vld [tilespmem:s24+$0x8400];
	v63 =	vmul.f32 v45, v42;
	v58 =	vadd.f32 v5, v9;
	(xrf2) =	vadd.scan.msk.f32 $0xffff, v0;
	v0 =	vadd.f32 v57, v49;
	(pc) =	sbr.rel @p0 .LBB2_2-.Ltmp0, $4  }
0x220: {  	v15 =	vmovc v50;
	v38 =	vld [tilespmem:s24+$0x400];
	v62 =	vmul.f32 v43, v53;
	v61 =	vmul.f32 v20, v48;
	v1 =	vadd.f32 v2, v1  }
0x221: {  	v42 =	vld [tilespmem:s24+$0x8440];
	v46 =	vmul.f32 v18, v17;
	v0 =	vadd.f32 v60, v0;
	v2 =	vadd.f32 v59, v58;
	v54, _, _ =	vpop (xrf2)  }
0x222: {  	v43 =	vld [tilespmem:s24+$0x450];
	v18 =	vmov v44;
	v17 =	vmov v47;
	v47 =	vmul.f32 v3, v22;
	(xrf2) =	vadd.scan.msk.f32 $0xffff, v1;
	v21, _, _ =	vpop (xrf2)  }
0x223: {  	s26 =	sadd.s32 $0x1000, s26;
	v41 =	vld [tilespmem:s24+$0x8410];
	v45 =	vadd.f32 v62, v61;
	v48 =	vmul.f32 v11, v4;
	v44 =	vadd.f32 v63, v0;
	(xrf2) =	vadd.scan.msk.f32 $0xffff, v2;
	v22, _, _ =	vpop (xrf2)  }
0x224: {  	v0 =	vld [tilespmem:s24+$0x8450]  }
0x225: {  	v1 =	vld [tilespmem:s24+$0x460]  }
0x226: {  	v4 =	vld [tilespmem:s24+$0x8460]  }
0x227: {  	v7 =	vld [tilespmem:s24+$0x470]  }
0x228: {  	v6 =	vmul.f32 v34, v33;
	v33 =	vld [tilespmem:s24+$0x8470]  }
0x229: {  	v10 =	vld [tilespmem:s24+$0x8520]  }
0x22a: {  	v12 =	vld [tilespmem:s24+$0x530]  }
0x22b: {  	v14 =	vld [tilespmem:s24+$0x85E0]  }
0x22c: {  	v50 =	vld [tilespmem:s24+$0x86A0]  }
0x22d: {  	v52 =	vld [tilespmem:s24+$0x6B0]  }
0x22e: {  	v53 =	vld [tilespmem:$0x1FF80]  }
0x22f: {  	v55 =	vld [tilespmem:s24+$0x86B0]  }
0x230: {  	v57 =	vld [tilespmem:$0x1FF40]  }
0x231: {  	v58 =	vld [tilespmem:$0x1FF50]  }
0x232: {  	v59 =	vld [tilespmem:$0x1FF60]  }
0x233: {  	v60 =	vld [tilespmem:$0x1FF70]  }
0x234: {  	v61 =	vld [tilespmem:s24+$0x8760]  }
0x235: {  	v3 =	vmul.f32 v30, v29;
	v11 =	vmul.f32 v28, v27;
	v62 =	vld [tilespmem:s24+$0x770]  }
0x236: {  	v13 =	vmul.f32 v32, v31;
	v49 =	vmul.f32 v18, v17;
	v17 =	vld [tilespmem:$0x1FF30]  }
0x237: {  	v18 =	vld [tilespmem:s24+$0x8770];
	v2 =	vadd.f32 v46, v45;
	v8 =	vmul.f32 v37, v38;
	v9 =	vmul.f32 v41, v39  }
0x238: {  	v20 =	vld [tilespmem:$0x1FEF0];
	v5 =	vadd.f32 v48, v47;
	v34 =	vmul.f32 v42, v40;
	v0 =	vmul.f32 v0, v43  }
0x239: {  	v23 =	vld [tilespmem:$0x1FF00];
	v37 =	vmul.f32 v36, v35;
	v40 =	vmul.f32 v24, v51;
	v8 =	vadd.f32 v9, v8  }
0x23a: {  	v38 =	vld [tilespmem:s24+$0x8530];
	v5 =	vadd.f32 v6, v5;
	v1 =	vmul.f32 v4, v1;
	v0 =	vadd.f32 v0, v34  }
0x23b: {  	v31 =	vld [tilespmem:$0x1FEE0];
	v2 =	vadd.f32 v3, v2;
	v41 =	vmul.f32 v26, v25;
	v39 =	vadd.f32 v37, v8  }
0x23c: {  	(xrf2) =	vadd.scan.msk.f32 $0xffff, v44;
	v47 =	vld [tilespmem:s24+$0x85F0];
	v5 =	vadd.f32 v11, v5;
	v42 =	vmul.f32 v33, v7;
	v0 =	vadd.f32 v1, v0  }
0x23d: {  	v43 =	vld [tilespmem:s24+$0x5F0];
	(xrf2) =	vadd.scan.msk.f32 $0xffff, v2;
	v46 =	vmul.f32 v10, v19;
	v45 =	vadd.f32 v41, v40;
	v44 =	vadd.f32 v13, v39  }
0x23e: {  	v48 =	vmul.f32 v16, v15;
	v24 =	vld [tilespmem:$0x1FF10];
	(xrf2) =	vadd.scan.msk.f32 $0xffff, v5;
	v0 =	vadd.f32 v42, v0  }
0x23f: {  	v25 =	vld [tilespmem:$0x1FF20];
	v4 =	vmul.f32 v38, v12;
	v51 =	vadd.f32 v46, v45;
	(xrf2) =	vadd.scan.msk.f32 $0xffff, v44  }
0x240: {  	v35 =	vld [tilespmem:$0x1FEB0];
	v5 =	vmul.f32 v14, v53;
	v1 =	vadd.f32 v49, v48;
	(xrf2) =	vadd.scan.msk.f32 $0xffff, v0  }
0x241: {  	v2 =	vmul.f32 v58, v57;
	v38 =	vld [tilespmem:$0x1FEC0];
	v56 =	vadd.f32 v4, v51;
	v4 =	vmul.f32 v60, v59  }
0x242: {  	v34 =	vld [tilespmem:$0x1FEA0];
	v3 =	vmul.f32 v47, v43;
	v1 =	vadd.f32 v5, v1  }
0x243: {  	v63, _, _ =	vpop (xrf2);
	v39 =	vld [tilespmem:$0x1FED0];
	v2 =	vadd.f32 v4, v2;
	v4 =	vmul.f32 v50, v17;
	(xrf2) =	vadd.scan.msk.f32 $0xffff, v56  }
0x244: {  	v29 =	vld [tilespmem:s24+$0x87E0];
	v19, _, _ =	vpop (xrf2);
	v11 =	vmul.f32 v25, v24;
	v1 =	vadd.f32 v3, v1;
	v3 =	vmul.f32 v23, v20  }
0x245: {  	v26 =	vld [tilespmem:s24+$0x7E0];
	v28 =	vmul.f32 v55, v52;
	v27, _, _ =	vpop (xrf2);
	v2 =	vadd.f32 v4, v2  }
0x246: {  	v32 =	vld [tilespmem:s24+$0x7F0];
	v10 =	vmul.f32 v61, v31;
	v30, _, _ =	vpop (xrf2);
	v3 =	vadd.f32 v11, v3;
	(xrf2) =	vadd.scan.msk.f32 $0xffff, v1  }
0x247: {  	v36 =	vld [tilespmem:s24+$0x87F0];
	v5 =	vmul.f32 v18, v62;
	v33, _, _ =	vpop (xrf2);
	v2 =	vadd.f32 v28, v2  }
0x248: {  	v4 =	vmul.f32 v35, v34;
	v9 =	vmul.f32 v39, v38;
	v37, _, _ =	vpop (xrf2);
	v3 =	vadd.f32 v10, v3  }
0x249: {  	(xrf2) =	vadd.scan.msk.f32 $0xffff, v2;
	v40, _, _ =	vpop (xrf2)  }
0x24a: {  	v43 =	vmul.f32 v29, v26;
	v42 =	vadd.f32 v9, v4;
	v41 =	vadd.f32 v5, v3;
	v44, _, _ =	vpop (xrf2)  }
0x24b: {  	v45 =	vbroadcast v40, $0xF;
	v5 =	vbroadcast v44, $0xF  }
0x24c: {  	v47 =	vmul.f32 v36, v32;
	v46 =	vbroadcast v37, $0xF;
	v3 =	vadd.f32 v43, v42;
	(xrf2) =	vadd.scan.msk.f32 $0xffff, v41  }
0x24d: {  	v1 =	vbroadcast v33, $0xF;
	v49, _, _ =	vpop (xrf2);
	v48 =	vsel vm0, v45, v5  }
0x24e: {  	v3 =	vadd.f32 v47, v3;
	v5 =	vbroadcast v49, $0xF;
	v2 =	vsel vm1, v48, v46  }
0x24f: {  	v50 =	vbroadcast v30, $0xF;
	v1 =	vsel vm2, v2, v1  }
0x250: {  	v51 =	vbroadcast v27, $0xF;
	(xrf2) =	vadd.scan.msk.f32 $0xffff, v3;
	v52, _, _ =	vpop (xrf2);
	v1 =	vsel vm3, v1, v5  }
0x251: {  	v53 =	vbroadcast v52, $0xF;
	v1 =	vsel vm4, v1, v50  }
0x252: {  	v0 =	vbroadcast v19, $0xF;
	v1 =	vsel vm5, v1, v51  }
0x253: {  	v55 =	vbroadcast v63, $0xF;
	v56, _, _ =	vpop (xrf2);
	v1 =	vsel vm6, v1, v53  }
0x254: {  	v57 =	vbroadcast v56, $0xF;
	v0 =	vsel vm7, v1, v0  }
0x255: {  	v58 =	vbroadcast v22, $0xF;
	v0 =	vsel vm8, v0, v55  }
0x256: {  	v59 =	vbroadcast v21, $0xF;
	v60, _, _ =	vpop (xrf2);
	v0 =	vsel vm9, v0, v57  }
0x257: {  	v61 =	vbroadcast v60, $0xF;
	v0 =	vsel vm10, v0, v58  }
0x258: {  	v62 =	vbroadcast v54, $0xF;
	v0 =	vsel vm11, v0, v59  }
0x259: {  	v0 =	vsel vm12, v0, v61  }
0x25a: {  	s23 =	sadd.s32 $0x1, s23;
	v63, _, _ =	vpop (xrf2);
	v0 =	vsel vm13, v0, v62  }
0x25b: {  	s26 =	sadd.s32 $0x10, s25;
	p0 =	sne.s32 s23, s14;
	v0 =	vsel vm14, v0, v63  }
.Ltmp1:
0x25c: {  	[tilespmem:s26+$0x0] =	vst v0;
	(pc) =	sbr.rel @p0 .LBB2_1-.Ltmp1, $4  }
0x25d: {  	[hbm4b:s13+s1] =	stream.linear.scatter [tilespmem:s2], [sflag:$0x2], $0x200, $0x38;
	[tilespmem:$0x10600] =	vst v63  }
0x25e: {  	_ =	swait.ge [sflag:s15], $0x200  }
0x25f: {  	[sflag:s15] =	ssyncset.done $0x0  }
0x260: {  	[sflag:s15] =	ssyncadd.s32 $0xFFFFFE00  }
0x261: {  	_ =	sfence.sel $0x180000  }
0x262: {  	[bflag:$0x0] =	sbarrier.arrive $0xFFFF  }
0x263: {  	_ =	strace $0x90000047  }
0x264: {  	s0 =	stileid.u32;
	[bflag:$0x2] =	sbarrier.arrive $0xFFFF  }
0x265: {  	p0 =	sne.s32 s0, $0x0;
	s0 =	rddreg [dreg:$0x4]  }
0x266: {  	s0 =	sadd.s32 @!p0 $0x100000, s0  }
0x267: {  	[sflag:s0] =	ssyncadd.tile.s32 @!p0 $0x1;
	_ =	shalt  }
.Lfunc_end2:
_tile_overlayer_lowered:
.L_overlay_start_2:
0x268: {  	(tag) =	ssettag $0x2  }
0x269: {  	s0 =	rddreg [dreg:$0x0];
	s2 =	stileid.u32  }
0x26a: {  	s1 =	rddreg [dreg:$0x1];
	p0 =	sne.s32 s2, $0x0  }
0x26b: {  	s3 =	rddreg [dreg:$0x2];
	[bflag:$0x3] =	sbarrier.arrive $0xFFFF;
	s2 =	simm.s32 @!p0 $0x1C02  }
0x26c: {  	[timem:s3], [sflag:s2] =	dma.local @!p0 [hbm:s0], s1  }
0x26d: {  	s0 =	simm.s32 @!p0 $0x2  }
0x26e: {  	_ =	swait.ge @!p0 [sflag:s0], s1  }
0x26f: {  	s1 =	ssub.s32 @!p0 $0x0, s1;
	[sflag:s0] =	ssyncset.done @!p0 $0x0  }
0x270: {  	[sflag:s0] =	ssyncadd.s32 @!p0 s1  }
0x271: {  	[bflag:$0x3] =	sbarrier.arrive $0xFFFF  }
0x272: {  	_ =	shalt  }

</sc_bundles>
